<compile_context>
chip_gen: v7x
topology: tpu7x:2x2x1
jax: 0.10.2.dev20260603
libtpu: 0.0.44.dev20260713+nightly
codegen_flags: <defaults>
</compile_context>

<pallas_src>
import functools

import numpy as np

import jax
import jax.numpy as jnp
from jax import lax
from jax.experimental import pallas as pl
from jax.experimental.pallas import tpu as pltpu
from jax.experimental.pallas import tpu_sc as plsc

_NE = 1024
_ED = 256
_BETA = 0.25
_BLK = 4096
_CHUNK = 16
_NCH = _NE // _CHUNK


def _consts():
    bits = np.zeros((_NE, _NCH), np.float32)
    for l in range(_NE):
        bits[l, l // _CHUNK] = 2.0 ** (15 - l % _CHUNK)
    ones = np.ones((1, _BLK), np.float32)
    return jnp.asarray(bits, jnp.bfloat16), jnp.asarray(ones, jnp.bfloat16)


def _vq_body(z_ref, w_ref, bits_ref, ones_ref,
             idx_ref, loss_ref, ppl_ref, cnt_ref):
    i = pl.program_id(0)
    nsteps = pl.num_programs(0)
    z = z_ref[...]
    w = w_ref[...]

    zw = jax.lax.dot_general(z, w, (((1,), (1,)), ((), ())),
                             preferred_element_type=jnp.float32,
                             precision=jax.lax.Precision.DEFAULT)
    z2 = jnp.sum(z * z, axis=1, keepdims=True)
    w2 = jnp.sum(w * w, axis=1)
    d = (z2 + w2[None, :]) - 2.0 * zw

    dmin = jnp.min(d, axis=1, keepdims=True)
    mb = (d == dmin).astype(jnp.bfloat16)
    extt = jax.lax.dot_general(bits_ref[...], mb, (((0,), (1,)), ((), ())),
                               preferred_element_type=jnp.float32)
    ebits = jax.lax.bitcast_convert_type(extt, jnp.int32)
    lic = 15 - ((ebits >> 23) - 127)
    kvec = jax.lax.broadcasted_iota(jnp.int32, extt.shape, 0)
    cand = jnp.where(extt > 0.0, kvec * 16 + lic, _NE)
    idx_row = jnp.min(cand, axis=0).astype(jnp.int32)
    idx_ref[0, 0, :] = idx_row

    subl = jax.lax.broadcasted_iota(jnp.int32, (_NE, _BLK), 0)
    oht = (subl == idx_row[None, :]).astype(jnp.bfloat16)

    dsum = jnp.sum(dmin)
    cnt_step = jax.lax.dot_general(ones_ref[...], oht, (((1,), (1,)), ((), ())),
                                   preferred_element_type=jnp.float32)

    @pl.when(i == 0)
    def _init():
        loss_ref[0, 0] = 0.0
        cnt_ref[...] = jnp.zeros_like(cnt_ref)

    loss_ref[0, 0] += dsum
    cnt_ref[...] += cnt_step

    @pl.when(i == nsteps - 1)
    def _finish():
        total = jnp.float32(nsteps * _BLK)
        e_mean = cnt_ref[...] / total
        ent = jnp.sum(e_mean * jnp.log(e_mean + 1e-10))
        ppl_ref[0, 0] = jnp.exp(-ent)
        loss_ref[0, 0] = (1.0 + _BETA) * loss_ref[0, 0] / (total * _ED)


def _tc_call(zf, W):
    m = zf.shape[0]
    nb = m // _BLK
    bits, ones = _consts()
    return pl.pallas_call(
        _vq_body,
        grid=(nb,),
        in_specs=[
            pl.BlockSpec((_BLK, _ED), lambda i: (i, 0)),
            pl.BlockSpec((_NE, _ED), lambda i: (0, 0)),
            pl.BlockSpec((_NE, _NCH), lambda i: (0, 0)),
            pl.BlockSpec((1, _BLK), lambda i: (0, 0)),
        ],
        out_specs=[
            pl.BlockSpec((1, 1, _BLK), lambda i: (i, 0, 0)),
            pl.BlockSpec(memory_space=pltpu.SMEM),
            pl.BlockSpec(memory_space=pltpu.SMEM),
        ],
        out_shape=[
            jax.ShapeDtypeStruct((nb, 1, _BLK), jnp.int32),
            jax.ShapeDtypeStruct((1, 1), jnp.float32),
            jax.ShapeDtypeStruct((1, 1), jnp.float32),
        ],
        scratch_shapes=[pltpu.VMEM((1, _NE), jnp.float32)],
    )(zf, W, bits, ones)



_B = 32768
_NW = 32
_BPW = _B // _NW
_CROWS = 128
_NCHK = _BPW // _CROWS


def _sc_gather_body(table_hbm, idx_hbm, out_hbm, i0, i1,
                    r0, r1, g0, g1, o0, o1):
    wid = lax.axis_index("s") * 2 + lax.axis_index("c")
    base = wid * _BPW
    chunk0 = wid * _NCHK

    idxb = (i0, i1)
    rows = (r0, r1)
    gsem = (g0, g1)
    osem = (o0, o1)
    gcp = [None, None]
    ocp = [None, None]

    def start_gather(c):
        b = c & 1
        pltpu.sync_copy(idx_hbm.at[chunk0 + c], idxb[b])
        gcp[b] = pltpu.async_copy(table_hbm.at[idxb[b]], rows[b], gsem[b])

    start_gather(0)
    for c in range(_NCHK):
        b = c & 1
        nb = b ^ 1
        if c + 1 < _NCHK:
            if c >= 1:
                ocp[nb].wait()
            start_gather(c + 1)
        gcp[b].wait()
        ocp[b] = pltpu.async_copy(
            rows[b], out_hbm.at[pl.ds(base + c * _CROWS, _CROWS)], osem[b])
    ocp[0].wait()
    ocp[1].wait()


_sc_gather = functools.partial(
    pl.kernel,
    mesh=plsc.VectorSubcoreMesh(core_axis_name="c", subcore_axis_name="s"),
    out_type=jax.ShapeDtypeStruct((_B, _ED), jnp.float32),
    scratch_types=[
        pltpu.VMEM((_CROWS,), jnp.int32),
        pltpu.VMEM((_CROWS,), jnp.int32),
        pltpu.VMEM((_CROWS, _ED), jnp.float32),
        pltpu.VMEM((_CROWS, _ED), jnp.float32),
        pltpu.SemaphoreType.DMA,
        pltpu.SemaphoreType.DMA,
        pltpu.SemaphoreType.DMA,
        pltpu.SemaphoreType.DMA,
    ],
)(_sc_gather_body)


def kernel(z, W):
    zf = z.reshape(-1, _ED)
    m = zf.shape[0]
    idx3, loss, ppl = _tc_call(zf, W)
    idx = idx3.reshape(m)
    zq = _sc_gather(W, idx.reshape(_B // _CROWS, _CROWS))
    return (loss[0, 0], zq.reshape(z.shape), idx, ppl[0, 0])

# --- scband reference (transcript-rebuilt; emitter-appended) ---
"""Pipeline reference for scband-quantizer-67671504716402 (READ-ONLY COPY).

The authoritative reference and input builder live on the scoring server;
editing this copy changes nothing except your own understanding.
"""

import jax, jax.numpy as jnp
import numpy as np

N_E = 1024
E_DIM = 256
BETA = 0.25


def setup_inputs(seed: int = 0) -> dict:
    key = jax.random.key(seed)
    k1, k2 = jax.random.split(key)
    z = jax.random.normal(k1, (16, 2048, E_DIM), dtype=jnp.float32)
    # nn.Embedding weight, initialized uniform(-1/n_e, 1/n_e) as in the torch module
    W = jax.random.uniform(k2, (N_E, E_DIM), dtype=jnp.float32,
                           minval=-1.0 / N_E, maxval=1.0 / N_E)
    return {"z": z, "W": W}


def reference(z, W):
    assert z.shape[-1] == E_DIM
    z_flat = z.reshape(-1, E_DIM)
    d = (jnp.sum(z_flat ** 2, axis=1, keepdims=True)
         + jnp.sum(W ** 2, axis=1)
         - 2.0 * jnp.matmul(z_flat, W.T))
    min_encoding_indices = jnp.argmin(d, axis=1)
    z_q = jnp.take(W, min_encoding_indices, axis=0).reshape(z.shape)
    loss = (jnp.mean((z_q - jax.lax.stop_gradient(z)) ** 2)
            + BETA * jnp.mean((jax.lax.stop_gradient(z_q) - z) ** 2))
    z_q_st = z + jax.lax.stop_gradient(z_q - z)
    min_encodings = jax.nn.one_hot(min_encoding_indices, N_E, dtype=z.dtype)
    e_mean = jnp.mean(min_encodings, axis=0)
    perplexity = jnp.exp(-jnp.sum(e_mean * jnp.log(e_mean + 1e-10)))
    return (loss, z_q_st, min_encoding_indices, perplexity)

if __name__ == "__main__":
    import jax
    _d = setup_inputs()
    print(jax.jit(kernel)(*tuple(_d.values())))

</pallas_src>

<mosaic_0001>
#map = affine_map<(d0, d1) -> (0, 0)>
module attributes {stable_mosaic.version = 14 : i64} {
  func.func @_sc_gather_body(%arg0: i32, %arg1: i32, %arg2: memref<1024x256xf32, #tpu.memory_space<hbm>>, %arg3: memref<256x128xi32, #tpu.memory_space<hbm>>, %arg4: memref<32768x256xf32, #tpu.memory_space<hbm>>, %arg5: memref<128xi32, #tpu.memory_space<vmem>>, %arg6: memref<128xi32, #tpu.memory_space<vmem>>, %arg7: memref<128x256xf32, #tpu.memory_space<vmem>>, %arg8: memref<128x256xf32, #tpu.memory_space<vmem>>, %arg9: memref<!tpu.dma_semaphore, #tpu.memory_space<semaphore_mem>>, %arg10: memref<!tpu.dma_semaphore, #tpu.memory_space<semaphore_mem>>, %arg11: memref<!tpu.dma_semaphore, #tpu.memory_space<semaphore_mem>>, %arg12: memref<!tpu.dma_semaphore, #tpu.memory_space<semaphore_mem>>) attributes {dimension_semantics = [#tpu.dimension_semantics<core_parallel>, #tpu.dimension_semantics<subcore_parallel>], iteration_bounds = array<i64: 2, 16>, scalar_prefetch = 0 : i64, scratch_operands = 8 : i64, tpu.core_type = #tpu.core_type<sc_vector_subcore>, window_params = [{transform_indices = #map}, {transform_indices = #map}, {transform_indices = #map}]} {
    %mul3A = arith.constant 2 : i32
    %mul3A_0 = arith.muli %arg1, %mul3A : i32
    %add3A = arith.addi %mul3A_0, %arg0 : i32
    %mul3A_1 = arith.constant 1024 : i32
    %mul3A_2 = arith.muli %add3A, %mul3A_1 : i32
    %mul3A_3 = arith.constant 8 : i32
    %mul3A_4 = arith.muli %add3A, %mul3A_3 : i32
    %add3A_5 = arith.constant 0 : i32
    %add3A_6 = arith.addi %mul3A_4, %add3A_5 : i32
    "tpu.region"() ({
      %run_scoped3A = tpu.sem_alloc : memref<!tpu.dma_semaphore, #tpu.memory_space<semaphore_mem>>
      %dma_start3A_147 = arith.constant 0 : i32
      %dma_start3A_148 = tpu.memref_slice %arg3[%add3A_6, %dma_start3A_147] : memref<256x128xi32, #tpu.memory_space<hbm>> -> memref<1x128xi32, #tpu.memory_space<hbm>>
      %dma_start3A_149 = tpu.memref_squeeze %dma_start3A_148 : memref<1x128xi32, #tpu.memory_space<hbm>> -> memref<128xi32, #tpu.memory_space<hbm>>
      %dma_start3A_150 = arith.constant 0 : i32
      %dma_start3A_151 = tpu.memref_slice %arg3[%add3A_6, %dma_start3A_150] : memref<256x128xi32, #tpu.memory_space<hbm>> -> memref<1x128xi32, #tpu.memory_space<hbm>>
      %dma_start3A_152 = tpu.memref_squeeze %dma_start3A_151 : memref<1x128xi32, #tpu.memory_space<hbm>> -> memref<128xi32, #tpu.memory_space<hbm>>
      tpu.enqueue_dma source(%dma_start3A_152 : memref<128xi32, #tpu.memory_space<hbm>>) target(%arg5 : memref<128xi32, #tpu.memory_space<vmem>>) target_semaphore(%run_scoped3A : memref<!tpu.dma_semaphore, #tpu.memory_space<semaphore_mem>>)
      %dma_wait3A_153 = arith.constant 0 : i32
      %dma_wait3A_154 = tpu.memref_slice %arg3[%add3A_6, %dma_wait3A_153] : memref<256x128xi32, #tpu.memory_space<hbm>> -> memref<1x128xi32, #tpu.memory_space<hbm>>
      %dma_wait3A_155 = tpu.memref_squeeze %dma_wait3A_154 : memref<1x128xi32, #tpu.memory_space<hbm>> -> memref<128xi32, #tpu.memory_space<hbm>>
      %dma_wait3A_156 = arith.constant 0 : i32
      %dma_wait3A_157 = tpu.memref_slice %arg3[%add3A_6, %dma_wait3A_156] : memref<256x128xi32, #tpu.memory_space<hbm>> -> memref<1x128xi32, #tpu.memory_space<hbm>>
      %dma_wait3A_158 = tpu.memref_squeeze %dma_wait3A_157 : memref<1x128xi32, #tpu.memory_space<hbm>> -> memref<128xi32, #tpu.memory_space<hbm>>
      tpu.wait_dma2 semaphore(%run_scoped3A : memref<!tpu.dma_semaphore, #tpu.memory_space<semaphore_mem>>) src(%dma_wait3A_158 : memref<128xi32, #tpu.memory_space<hbm>>) dst(%arg5 : memref<128xi32, #tpu.memory_space<vmem>>)
      tpu.yield
    }) : () -> ()
    %dma_start3A = arith.constant 0 : i32
    %dma_start3A_7 = arith.constant 0 : i32
    %dma_start3A_8 = tpu.memref_slice %arg2[%dma_start3A, %dma_start3A_7] : memref<1024x256xf32, #tpu.memory_space<hbm>> -> memref<1024x256xf32, #tpu.memory_space<hbm>>
    tpu.enqueue_indirect_dma source(%dma_start3A_8 : memref<1024x256xf32, #tpu.memory_space<hbm>>) target(%arg7 : memref<128x256xf32, #tpu.memory_space<vmem>>) offsets(%arg5 : memref<128xi32, #tpu.memory_space<vmem>>) semaphore(%arg9 : memref<!tpu.dma_semaphore, #tpu.memory_space<semaphore_mem>>)
    %add3A_9 = arith.constant 1 : i32
    %add3A_10 = arith.addi %mul3A_4, %add3A_9 : i32
    "tpu.region"() ({
      %run_scoped3A = tpu.sem_alloc : memref<!tpu.dma_semaphore, #tpu.memory_space<semaphore_mem>>
      %dma_start3A_147 = arith.constant 0 : i32
      %dma_start3A_148 = tpu.memref_slice %arg3[%add3A_10, %dma_start3A_147] : memref<256x128xi32, #tpu.memory_space<hbm>> -> memref<1x128xi32, #tpu.memory_space<hbm>>
      %dma_start3A_149 = tpu.memref_squeeze %dma_start3A_148 : memref<1x128xi32, #tpu.memory_space<hbm>> -> memref<128xi32, #tpu.memory_space<hbm>>
      %dma_start3A_150 = arith.constant 0 : i32
      %dma_start3A_151 = tpu.memref_slice %arg3[%add3A_10, %dma_start3A_150] : memref<256x128xi32, #tpu.memory_space<hbm>> -> memref<1x128xi32, #tpu.memory_space<hbm>>
      %dma_start3A_152 = tpu.memref_squeeze %dma_start3A_151 : memref<1x128xi32, #tpu.memory_space<hbm>> -> memref<128xi32, #tpu.memory_space<hbm>>
      tpu.enqueue_dma source(%dma_start3A_152 : memref<128xi32, #tpu.memory_space<hbm>>) target(%arg6 : memref<128xi32, #tpu.memory_space<vmem>>) target_semaphore(%run_scoped3A : memref<!tpu.dma_semaphore, #tpu.memory_space<semaphore_mem>>)
      %dma_wait3A_153 = arith.constant 0 : i32
      %dma_wait3A_154 = tpu.memref_slice %arg3[%add3A_10, %dma_wait3A_153] : memref<256x128xi32, #tpu.memory_space<hbm>> -> memref<1x128xi32, #tpu.memory_space<hbm>>
      %dma_wait3A_155 = tpu.memref_squeeze %dma_wait3A_154 : memref<1x128xi32, #tpu.memory_space<hbm>> -> memref<128xi32, #tpu.memory_space<hbm>>
      %dma_wait3A_156 = arith.constant 0 : i32
      %dma_wait3A_157 = tpu.memref_slice %arg3[%add3A_10, %dma_wait3A_156] : memref<256x128xi32, #tpu.memory_space<hbm>> -> memref<1x128xi32, #tpu.memory_space<hbm>>
      %dma_wait3A_158 = tpu.memref_squeeze %dma_wait3A_157 : memref<1x128xi32, #tpu.memory_space<hbm>> -> memref<128xi32, #tpu.memory_space<hbm>>
      tpu.wait_dma2 semaphore(%run_scoped3A : memref<!tpu.dma_semaphore, #tpu.memory_space<semaphore_mem>>) src(%dma_wait3A_158 : memref<128xi32, #tpu.memory_space<hbm>>) dst(%arg6 : memref<128xi32, #tpu.memory_space<vmem>>)
      tpu.yield
    }) : () -> ()
    %dma_start3A_11 = arith.constant 0 : i32
    %dma_start3A_12 = arith.constant 0 : i32
    %dma_start3A_13 = tpu.memref_slice %arg2[%dma_start3A_11, %dma_start3A_12] : memref<1024x256xf32, #tpu.memory_space<hbm>> -> memref<1024x256xf32, #tpu.memory_space<hbm>>
    tpu.enqueue_indirect_dma source(%dma_start3A_13 : memref<1024x256xf32, #tpu.memory_space<hbm>>) target(%arg8 : memref<128x256xf32, #tpu.memory_space<vmem>>) offsets(%arg6 : memref<128xi32, #tpu.memory_space<vmem>>) semaphore(%arg10 : memref<!tpu.dma_semaphore, #tpu.memory_space<semaphore_mem>>)
    %dma_wait3A = arith.constant 0 : i32
    %dma_wait3A_14 = arith.constant 0 : i32
    %dma_wait3A_15 = tpu.memref_slice %arg2[%dma_wait3A, %dma_wait3A_14] : memref<1024x256xf32, #tpu.memory_space<hbm>> -> memref<1024x256xf32, #tpu.memory_space<hbm>>
    tpu.wait_indirect_dma semaphore(%arg9 : memref<!tpu.dma_semaphore, #tpu.memory_space<semaphore_mem>>) src(%dma_wait3A_15 : memref<1024x256xf32, #tpu.memory_space<hbm>>) dst(%arg7 : memref<128x256xf32, #tpu.memory_space<vmem>>)
    %add3A_16 = arith.constant 0 : i32
    %add3A_17 = arith.addi %mul3A_2, %add3A_16 : i32
    %dma_start3A_18 = arith.constant 0 : i32
    %dma_start3A_19 = tpu.memref_slice %arg4[%add3A_17, %dma_start3A_18] : memref<32768x256xf32, #tpu.memory_space<hbm>> -> memref<128x256xf32, #tpu.memory_space<hbm>>
    %dma_start3A_20 = arith.constant 0 : i32
    %dma_start3A_21 = tpu.memref_slice %arg4[%add3A_17, %dma_start3A_20] : memref<32768x256xf32, #tpu.memory_space<hbm>> -> memref<128x256xf32, #tpu.memory_space<hbm>>
    tpu.enqueue_dma source(%arg7 : memref<128x256xf32, #tpu.memory_space<vmem>>) target(%dma_start3A_21 : memref<128x256xf32, #tpu.memory_space<hbm>>) target_semaphore(%arg11 : memref<!tpu.dma_semaphore, #tpu.memory_space<semaphore_mem>>)
    %dma_wait3A_22 = arith.constant 0 : i32
    %dma_wait3A_23 = tpu.memref_slice %arg4[%add3A_17, %dma_wait3A_22] : memref<32768x256xf32, #tpu.memory_space<hbm>> -> memref<128x256xf32, #tpu.memory_space<hbm>>
    %dma_wait3A_24 = arith.constant 0 : i32
    %dma_wait3A_25 = tpu.memref_slice %arg4[%add3A_17, %dma_wait3A_24] : memref<32768x256xf32, #tpu.memory_space<hbm>> -> memref<128x256xf32, #tpu.memory_space<hbm>>
    tpu.wait_dma2 semaphore(%arg11 : memref<!tpu.dma_semaphore, #tpu.memory_space<semaphore_mem>>) src(%arg7 : memref<128x256xf32, #tpu.memory_space<vmem>>) dst(%dma_wait3A_25 : memref<128x256xf32, #tpu.memory_space<hbm>>)
    %add3A_26 = arith.constant 2 : i32
    %add3A_27 = arith.addi %mul3A_4, %add3A_26 : i32
    "tpu.region"() ({
      %run_scoped3A = tpu.sem_alloc : memref<!tpu.dma_semaphore, #tpu.memory_space<semaphore_mem>>
      %dma_start3A_147 = arith.constant 0 : i32
      %dma_start3A_148 = tpu.memref_slice %arg3[%add3A_27, %dma_start3A_147] : memref<256x128xi32, #tpu.memory_space<hbm>> -> memref<1x128xi32, #tpu.memory_space<hbm>>
      %dma_start3A_149 = tpu.memref_squeeze %dma_start3A_148 : memref<1x128xi32, #tpu.memory_space<hbm>> -> memref<128xi32, #tpu.memory_space<hbm>>
      %dma_start3A_150 = arith.constant 0 : i32
      %dma_start3A_151 = tpu.memref_slice %arg3[%add3A_27, %dma_start3A_150] : memref<256x128xi32, #tpu.memory_space<hbm>> -> memref<1x128xi32, #tpu.memory_space<hbm>>
      %dma_start3A_152 = tpu.memref_squeeze %dma_start3A_151 : memref<1x128xi32, #tpu.memory_space<hbm>> -> memref<128xi32, #tpu.memory_space<hbm>>
      tpu.enqueue_dma source(%dma_start3A_152 : memref<128xi32, #tpu.memory_space<hbm>>) target(%arg5 : memref<128xi32, #tpu.memory_space<vmem>>) target_semaphore(%run_scoped3A : memref<!tpu.dma_semaphore, #tpu.memory_space<semaphore_mem>>)
      %dma_wait3A_153 = arith.constant 0 : i32
      %dma_wait3A_154 = tpu.memref_slice %arg3[%add3A_27, %dma_wait3A_153] : memref<256x128xi32, #tpu.memory_space<hbm>> -> memref<1x128xi32, #tpu.memory_space<hbm>>
      %dma_wait3A_155 = tpu.memref_squeeze %dma_wait3A_154 : memref<1x128xi32, #tpu.memory_space<hbm>> -> memref<128xi32, #tpu.memory_space<hbm>>
      %dma_wait3A_156 = arith.constant 0 : i32
      %dma_wait3A_157 = tpu.memref_slice %arg3[%add3A_27, %dma_wait3A_156] : memref<256x128xi32, #tpu.memory_space<hbm>> -> memref<1x128xi32, #tpu.memory_space<hbm>>
      %dma_wait3A_158 = tpu.memref_squeeze %dma_wait3A_157 : memref<1x128xi32, #tpu.memory_space<hbm>> -> memref<128xi32, #tpu.memory_space<hbm>>
      tpu.wait_dma2 semaphore(%run_scoped3A : memref<!tpu.dma_semaphore, #tpu.memory_space<semaphore_mem>>) src(%dma_wait3A_158 : memref<128xi32, #tpu.memory_space<hbm>>) dst(%arg5 : memref<128xi32, #tpu.memory_space<vmem>>)
      tpu.yield
    }) : () -> ()
    %dma_start3A_28 = arith.constant 0 : i32
    %dma_start3A_29 = arith.constant 0 : i32
    %dma_start3A_30 = tpu.memref_slice %arg2[%dma_start3A_28, %dma_start3A_29] : memref<1024x256xf32, #tpu.memory_space<hbm>> -> memref<1024x256xf32, #tpu.memory_space<hbm>>
    tpu.enqueue_indirect_dma source(%dma_start3A_30 : memref<1024x256xf32, #tpu.memory_space<hbm>>) target(%arg7 : memref<128x256xf32, #tpu.memory_space<vmem>>) offsets(%arg5 : memref<128xi32, #tpu.memory_space<vmem>>) semaphore(%arg9 : memref<!tpu.dma_semaphore, #tpu.memory_space<semaphore_mem>>)
    %dma_wait3A_31 = arith.constant 0 : i32
    %dma_wait3A_32 = arith.constant 0 : i32
    %dma_wait3A_33 = tpu.memref_slice %arg2[%dma_wait3A_31, %dma_wait3A_32] : memref<1024x256xf32, #tpu.memory_space<hbm>> -> memref<1024x256xf32, #tpu.memory_space<hbm>>
    tpu.wait_indirect_dma semaphore(%arg10 : memref<!tpu.dma_semaphore, #tpu.memory_space<semaphore_mem>>) src(%dma_wait3A_33 : memref<1024x256xf32, #tpu.memory_space<hbm>>) dst(%arg8 : memref<128x256xf32, #tpu.memory_space<vmem>>)
    %add3A_34 = arith.constant 128 : i32
    %add3A_35 = arith.addi %mul3A_2, %add3A_34 : i32
    %dma_start3A_36 = arith.constant 0 : i32
    %dma_start3A_37 = tpu.memref_slice %arg4[%add3A_35, %dma_start3A_36] : memref<32768x256xf32, #tpu.memory_space<hbm>> -> memref<128x256xf32, #tpu.memory_space<hbm>>
    %dma_start3A_38 = arith.constant 0 : i32
    %dma_start3A_39 = tpu.memref_slice %arg4[%add3A_35, %dma_start3A_38] : memref<32768x256xf32, #tpu.memory_space<hbm>> -> memref<128x256xf32, #tpu.memory_space<hbm>>
    tpu.enqueue_dma source(%arg8 : memref<128x256xf32, #tpu.memory_space<vmem>>) target(%dma_start3A_39 : memref<128x256xf32, #tpu.memory_space<hbm>>) target_semaphore(%arg12 : memref<!tpu.dma_semaphore, #tpu.memory_space<semaphore_mem>>)
    %dma_wait3A_40 = arith.constant 0 : i32
    %dma_wait3A_41 = tpu.memref_slice %arg4[%add3A_35, %dma_wait3A_40] : memref<32768x256xf32, #tpu.memory_space<hbm>> -> memref<128x256xf32, #tpu.memory_space<hbm>>
    %dma_wait3A_42 = arith.constant 0 : i32
    %dma_wait3A_43 = tpu.memref_slice %arg4[%add3A_35, %dma_wait3A_42] : memref<32768x256xf32, #tpu.memory_space<hbm>> -> memref<128x256xf32, #tpu.memory_space<hbm>>
    tpu.wait_dma2 semaphore(%arg12 : memref<!tpu.dma_semaphore, #tpu.memory_space<semaphore_mem>>) src(%arg8 : memref<128x256xf32, #tpu.memory_space<vmem>>) dst(%dma_wait3A_43 : memref<128x256xf32, #tpu.memory_space<hbm>>)
    %add3A_44 = arith.constant 3 : i32
    %add3A_45 = arith.addi %mul3A_4, %add3A_44 : i32
    "tpu.region"() ({
      %run_scoped3A = tpu.sem_alloc : memref<!tpu.dma_semaphore, #tpu.memory_space<semaphore_mem>>
      %dma_start3A_147 = arith.constant 0 : i32
      %dma_start3A_148 = tpu.memref_slice %arg3[%add3A_45, %dma_start3A_147] : memref<256x128xi32, #tpu.memory_space<hbm>> -> memref<1x128xi32, #tpu.memory_space<hbm>>
      %dma_start3A_149 = tpu.memref_squeeze %dma_start3A_148 : memref<1x128xi32, #tpu.memory_space<hbm>> -> memref<128xi32, #tpu.memory_space<hbm>>
      %dma_start3A_150 = arith.constant 0 : i32
      %dma_start3A_151 = tpu.memref_slice %arg3[%add3A_45, %dma_start3A_150] : memref<256x128xi32, #tpu.memory_space<hbm>> -> memref<1x128xi32, #tpu.memory_space<hbm>>
      %dma_start3A_152 = tpu.memref_squeeze %dma_start3A_151 : memref<1x128xi32, #tpu.memory_space<hbm>> -> memref<128xi32, #tpu.memory_space<hbm>>
      tpu.enqueue_dma source(%dma_start3A_152 : memref<128xi32, #tpu.memory_space<hbm>>) target(%arg6 : memref<128xi32, #tpu.memory_space<vmem>>) target_semaphore(%run_scoped3A : memref<!tpu.dma_semaphore, #tpu.memory_space<semaphore_mem>>)
      %dma_wait3A_153 = arith.constant 0 : i32
      %dma_wait3A_154 = tpu.memref_slice %arg3[%add3A_45, %dma_wait3A_153] : memref<256x128xi32, #tpu.memory_space<hbm>> -> memref<1x128xi32, #tpu.memory_space<hbm>>
      %dma_wait3A_155 = tpu.memref_squeeze %dma_wait3A_154 : memref<1x128xi32, #tpu.memory_space<hbm>> -> memref<128xi32, #tpu.memory_space<hbm>>
      %dma_wait3A_156 = arith.constant 0 : i32
      %dma_wait3A_157 = tpu.memref_slice %arg3[%add3A_45, %dma_wait3A_156] : memref<256x128xi32, #tpu.memory_space<hbm>> -> memref<1x128xi32, #tpu.memory_space<hbm>>
      %dma_wait3A_158 = tpu.memref_squeeze %dma_wait3A_157 : memref<1x128xi32, #tpu.memory_space<hbm>> -> memref<128xi32, #tpu.memory_space<hbm>>
      tpu.wait_dma2 semaphore(%run_scoped3A : memref<!tpu.dma_semaphore, #tpu.memory_space<semaphore_mem>>) src(%dma_wait3A_158 : memref<128xi32, #tpu.memory_space<hbm>>) dst(%arg6 : memref<128xi32, #tpu.memory_space<vmem>>)
      tpu.yield
    }) : () -> ()
    %dma_start3A_46 = arith.constant 0 : i32
    %dma_start3A_47 = arith.constant 0 : i32
    %dma_start3A_48 = tpu.memref_slice %arg2[%dma_start3A_46, %dma_start3A_47] : memref<1024x256xf32, #tpu.memory_space<hbm>> -> memref<1024x256xf32, #tpu.memory_space<hbm>>
    tpu.enqueue_indirect_dma source(%dma_start3A_48 : memref<1024x256xf32, #tpu.memory_space<hbm>>) target(%arg8 : memref<128x256xf32, #tpu.memory_space<vmem>>) offsets(%arg6 : memref<128xi32, #tpu.memory_space<vmem>>) semaphore(%arg10 : memref<!tpu.dma_semaphore, #tpu.memory_space<semaphore_mem>>)
    %dma_wait3A_49 = arith.constant 0 : i32
    %dma_wait3A_50 = arith.constant 0 : i32
    %dma_wait3A_51 = tpu.memref_slice %arg2[%dma_wait3A_49, %dma_wait3A_50] : memref<1024x256xf32, #tpu.memory_space<hbm>> -> memref<1024x256xf32, #tpu.memory_space<hbm>>
    tpu.wait_indirect_dma semaphore(%arg9 : memref<!tpu.dma_semaphore, #tpu.memory_space<semaphore_mem>>) src(%dma_wait3A_51 : memref<1024x256xf32, #tpu.memory_space<hbm>>) dst(%arg7 : memref<128x256xf32, #tpu.memory_space<vmem>>)
    %add3A_52 = arith.constant 256 : i32
    %add3A_53 = arith.addi %mul3A_2, %add3A_52 : i32
    %dma_start3A_54 = arith.constant 0 : i32
    %dma_start3A_55 = tpu.memref_slice %arg4[%add3A_53, %dma_start3A_54] : memref<32768x256xf32, #tpu.memory_space<hbm>> -> memref<128x256xf32, #tpu.memory_space<hbm>>
    %dma_start3A_56 = arith.constant 0 : i32
    %dma_start3A_57 = tpu.memref_slice %arg4[%add3A_53, %dma_start3A_56] : memref<32768x256xf32, #tpu.memory_space<hbm>> -> memref<128x256xf32, #tpu.memory_space<hbm>>
    tpu.enqueue_dma source(%arg7 : memref<128x256xf32, #tpu.memory_space<vmem>>) target(%dma_start3A_57 : memref<128x256xf32, #tpu.memory_space<hbm>>) target_semaphore(%arg11 : memref<!tpu.dma_semaphore, #tpu.memory_space<semaphore_mem>>)
    %dma_wait3A_58 = arith.constant 0 : i32
    %dma_wait3A_59 = tpu.memref_slice %arg4[%add3A_53, %dma_wait3A_58] : memref<32768x256xf32, #tpu.memory_space<hbm>> -> memref<128x256xf32, #tpu.memory_space<hbm>>
    %dma_wait3A_60 = arith.constant 0 : i32
    %dma_wait3A_61 = tpu.memref_slice %arg4[%add3A_53, %dma_wait3A_60] : memref<32768x256xf32, #tpu.memory_space<hbm>> -> memref<128x256xf32, #tpu.memory_space<hbm>>
    tpu.wait_dma2 semaphore(%arg11 : memref<!tpu.dma_semaphore, #tpu.memory_space<semaphore_mem>>) src(%arg7 : memref<128x256xf32, #tpu.memory_space<vmem>>) dst(%dma_wait3A_61 : memref<128x256xf32, #tpu.memory_space<hbm>>)
    %add3A_62 = arith.constant 4 : i32
    %add3A_63 = arith.addi %mul3A_4, %add3A_62 : i32
    "tpu.region"() ({
      %run_scoped3A = tpu.sem_alloc : memref<!tpu.dma_semaphore, #tpu.memory_space<semaphore_mem>>
      %dma_start3A_147 = arith.constant 0 : i32
      %dma_start3A_148 = tpu.memref_slice %arg3[%add3A_63, %dma_start3A_147] : memref<256x128xi32, #tpu.memory_space<hbm>> -> memref<1x128xi32, #tpu.memory_space<hbm>>
      %dma_start3A_149 = tpu.memref_squeeze %dma_start3A_148 : memref<1x128xi32, #tpu.memory_space<hbm>> -> memref<128xi32, #tpu.memory_space<hbm>>
      %dma_start3A_150 = arith.constant 0 : i32
      %dma_start3A_151 = tpu.memref_slice %arg3[%add3A_63, %dma_start3A_150] : memref<256x128xi32, #tpu.memory_space<hbm>> -> memref<1x128xi32, #tpu.memory_space<hbm>>
      %dma_start3A_152 = tpu.memref_squeeze %dma_start3A_151 : memref<1x128xi32, #tpu.memory_space<hbm>> -> memref<128xi32, #tpu.memory_space<hbm>>
      tpu.enqueue_dma source(%dma_start3A_152 : memref<128xi32, #tpu.memory_space<hbm>>) target(%arg5 : memref<128xi32, #tpu.memory_space<vmem>>) target_semaphore(%run_scoped3A : memref<!tpu.dma_semaphore, #tpu.memory_space<semaphore_mem>>)
      %dma_wait3A_153 = arith.constant 0 : i32
      %dma_wait3A_154 = tpu.memref_slice %arg3[%add3A_63, %dma_wait3A_153] : memref<256x128xi32, #tpu.memory_space<hbm>> -> memref<1x128xi32, #tpu.memory_space<hbm>>
      %dma_wait3A_155 = tpu.memref_squeeze %dma_wait3A_154 : memref<1x128xi32, #tpu.memory_space<hbm>> -> memref<128xi32, #tpu.memory_space<hbm>>
      %dma_wait3A_156 = arith.constant 0 : i32
      %dma_wait3A_157 = tpu.memref_slice %arg3[%add3A_63, %dma_wait3A_156] : memref<256x128xi32, #tpu.memory_space<hbm>> -> memref<1x128xi32, #tpu.memory_space<hbm>>
      %dma_wait3A_158 = tpu.memref_squeeze %dma_wait3A_157 : memref<1x128xi32, #tpu.memory_space<hbm>> -> memref<128xi32, #tpu.memory_space<hbm>>
      tpu.wait_dma2 semaphore(%run_scoped3A : memref<!tpu.dma_semaphore, #tpu.memory_space<semaphore_mem>>) src(%dma_wait3A_158 : memref<128xi32, #tpu.memory_space<hbm>>) dst(%arg5 : memref<128xi32, #tpu.memory_space<vmem>>)
      tpu.yield
    }) : () -> ()
    %dma_start3A_64 = arith.constant 0 : i32
    %dma_start3A_65 = arith.constant 0 : i32
    %dma_start3A_66 = tpu.memref_slice %arg2[%dma_start3A_64, %dma_start3A_65] : memref<1024x256xf32, #tpu.memory_space<hbm>> -> memref<1024x256xf32, #tpu.memory_space<hbm>>
    tpu.enqueue_indirect_dma source(%dma_start3A_66 : memref<1024x256xf32, #tpu.memory_space<hbm>>) target(%arg7 : memref<128x256xf32, #tpu.memory_space<vmem>>) offsets(%arg5 : memref<128xi32, #tpu.memory_space<vmem>>) semaphore(%arg9 : memref<!tpu.dma_semaphore, #tpu.memory_space<semaphore_mem>>)
    %dma_wait3A_67 = arith.constant 0 : i32
    %dma_wait3A_68 = arith.constant 0 : i32
    %dma_wait3A_69 = tpu.memref_slice %arg2[%dma_wait3A_67, %dma_wait3A_68] : memref<1024x256xf32, #tpu.memory_space<hbm>> -> memref<1024x256xf32, #tpu.memory_space<hbm>>
    tpu.wait_indirect_dma semaphore(%arg10 : memref<!tpu.dma_semaphore, #tpu.memory_space<semaphore_mem>>) src(%dma_wait3A_69 : memref<1024x256xf32, #tpu.memory_space<hbm>>) dst(%arg8 : memref<128x256xf32, #tpu.memory_space<vmem>>)
    %add3A_70 = arith.constant 384 : i32
    %add3A_71 = arith.addi %mul3A_2, %add3A_70 : i32
    %dma_start3A_72 = arith.constant 0 : i32
    %dma_start3A_73 = tpu.memref_slice %arg4[%add3A_71, %dma_start3A_72] : memref<32768x256xf32, #tpu.memory_space<hbm>> -> memref<128x256xf32, #tpu.memory_space<hbm>>
    %dma_start3A_74 = arith.constant 0 : i32
    %dma_start3A_75 = tpu.memref_slice %arg4[%add3A_71, %dma_start3A_74] : memref<32768x256xf32, #tpu.memory_space<hbm>> -> memref<128x256xf32, #tpu.memory_space<hbm>>
    tpu.enqueue_dma source(%arg8 : memref<128x256xf32, #tpu.memory_space<vmem>>) target(%dma_start3A_75 : memref<128x256xf32, #tpu.memory_space<hbm>>) target_semaphore(%arg12 : memref<!tpu.dma_semaphore, #tpu.memory_space<semaphore_mem>>)
    %dma_wait3A_76 = arith.constant 0 : i32
    %dma_wait3A_77 = tpu.memref_slice %arg4[%add3A_71, %dma_wait3A_76] : memref<32768x256xf32, #tpu.memory_space<hbm>> -> memref<128x256xf32, #tpu.memory_space<hbm>>
    %dma_wait3A_78 = arith.constant 0 : i32
    %dma_wait3A_79 = tpu.memref_slice %arg4[%add3A_71, %dma_wait3A_78] : memref<32768x256xf32, #tpu.memory_space<hbm>> -> memref<128x256xf32, #tpu.memory_space<hbm>>
    tpu.wait_dma2 semaphore(%arg12 : memref<!tpu.dma_semaphore, #tpu.memory_space<semaphore_mem>>) src(%arg8 : memref<128x256xf32, #tpu.memory_space<vmem>>) dst(%dma_wait3A_79 : memref<128x256xf32, #tpu.memory_space<hbm>>)
    %add3A_80 = arith.constant 5 : i32
    %add3A_81 = arith.addi %mul3A_4, %add3A_80 : i32
    "tpu.region"() ({
      %run_scoped3A = tpu.sem_alloc : memref<!tpu.dma_semaphore, #tpu.memory_space<semaphore_mem>>
      %dma_start3A_147 = arith.constant 0 : i32
      %dma_start3A_148 = tpu.memref_slice %arg3[%add3A_81, %dma_start3A_147] : memref<256x128xi32, #tpu.memory_space<hbm>> -> memref<1x128xi32, #tpu.memory_space<hbm>>
      %dma_start3A_149 = tpu.memref_squeeze %dma_start3A_148 : memref<1x128xi32, #tpu.memory_space<hbm>> -> memref<128xi32, #tpu.memory_space<hbm>>
      %dma_start3A_150 = arith.constant 0 : i32
      %dma_start3A_151 = tpu.memref_slice %arg3[%add3A_81, %dma_start3A_150] : memref<256x128xi32, #tpu.memory_space<hbm>> -> memref<1x128xi32, #tpu.memory_space<hbm>>
      %dma_start3A_152 = tpu.memref_squeeze %dma_start3A_151 : memref<1x128xi32, #tpu.memory_space<hbm>> -> memref<128xi32, #tpu.memory_space<hbm>>
      tpu.enqueue_dma source(%dma_start3A_152 : memref<128xi32, #tpu.memory_space<hbm>>) target(%arg6 : memref<128xi32, #tpu.memory_space<vmem>>) target_semaphore(%run_scoped3A : memref<!tpu.dma_semaphore, #tpu.memory_space<semaphore_mem>>)
      %dma_wait3A_153 = arith.constant 0 : i32
      %dma_wait3A_154 = tpu.memref_slice %arg3[%add3A_81, %dma_wait3A_153] : memref<256x128xi32, #tpu.memory_space<hbm>> -> memref<1x128xi32, #tpu.memory_space<hbm>>
      %dma_wait3A_155 = tpu.memref_squeeze %dma_wait3A_154 : memref<1x128xi32, #tpu.memory_space<hbm>> -> memref<128xi32, #tpu.memory_space<hbm>>
      %dma_wait3A_156 = arith.constant 0 : i32
      %dma_wait3A_157 = tpu.memref_slice %arg3[%add3A_81, %dma_wait3A_156] : memref<256x128xi32, #tpu.memory_space<hbm>> -> memref<1x128xi32, #tpu.memory_space<hbm>>
      %dma_wait3A_158 = tpu.memref_squeeze %dma_wait3A_157 : memref<1x128xi32, #tpu.memory_space<hbm>> -> memref<128xi32, #tpu.memory_space<hbm>>
      tpu.wait_dma2 semaphore(%run_scoped3A : memref<!tpu.dma_semaphore, #tpu.memory_space<semaphore_mem>>) src(%dma_wait3A_158 : memref<128xi32, #tpu.memory_space<hbm>>) dst(%arg6 : memref<128xi32, #tpu.memory_space<vmem>>)
      tpu.yield
    }) : () -> ()
    %dma_start3A_82 = arith.constant 0 : i32
    %dma_start3A_83 = arith.constant 0 : i32
    %dma_start3A_84 = tpu.memref_slice %arg2[%dma_start3A_82, %dma_start3A_83] : memref<1024x256xf32, #tpu.memory_space<hbm>> -> memref<1024x256xf32, #tpu.memory_space<hbm>>
    tpu.enqueue_indirect_dma source(%dma_start3A_84 : memref<1024x256xf32, #tpu.memory_space<hbm>>) target(%arg8 : memref<128x256xf32, #tpu.memory_space<vmem>>) offsets(%arg6 : memref<128xi32, #tpu.memory_space<vmem>>) semaphore(%arg10 : memref<!tpu.dma_semaphore, #tpu.memory_space<semaphore_mem>>)
    %dma_wait3A_85 = arith.constant 0 : i32
    %dma_wait3A_86 = arith.constant 0 : i32
    %dma_wait3A_87 = tpu.memref_slice %arg2[%dma_wait3A_85, %dma_wait3A_86] : memref<1024x256xf32, #tpu.memory_space<hbm>> -> memref<1024x256xf32, #tpu.memory_space<hbm>>
    tpu.wait_indirect_dma semaphore(%arg9 : memref<!tpu.dma_semaphore, #tpu.memory_space<semaphore_mem>>) src(%dma_wait3A_87 : memref<1024x256xf32, #tpu.memory_space<hbm>>) dst(%arg7 : memref<128x256xf32, #tpu.memory_space<vmem>>)
    %add3A_88 = arith.constant 512 : i32
    %add3A_89 = arith.addi %mul3A_2, %add3A_88 : i32
    %dma_start3A_90 = arith.constant 0 : i32
    %dma_start3A_91 = tpu.memref_slice %arg4[%add3A_89, %dma_start3A_90] : memref<32768x256xf32, #tpu.memory_space<hbm>> -> memref<128x256xf32, #tpu.memory_space<hbm>>
    %dma_start3A_92 = arith.constant 0 : i32
    %dma_start3A_93 = tpu.memref_slice %arg4[%add3A_89, %dma_start3A_92] : memref<32768x256xf32, #tpu.memory_space<hbm>> -> memref<128x256xf32, #tpu.memory_space<hbm>>
    tpu.enqueue_dma source(%arg7 : memref<128x256xf32, #tpu.memory_space<vmem>>) target(%dma_start3A_93 : memref<128x256xf32, #tpu.memory_space<hbm>>) target_semaphore(%arg11 : memref<!tpu.dma_semaphore, #tpu.memory_space<semaphore_mem>>)
    %dma_wait3A_94 = arith.constant 0 : i32
    %dma_wait3A_95 = tpu.memref_slice %arg4[%add3A_89, %dma_wait3A_94] : memref<32768x256xf32, #tpu.memory_space<hbm>> -> memref<128x256xf32, #tpu.memory_space<hbm>>
    %dma_wait3A_96 = arith.constant 0 : i32
    %dma_wait3A_97 = tpu.memref_slice %arg4[%add3A_89, %dma_wait3A_96] : memref<32768x256xf32, #tpu.memory_space<hbm>> -> memref<128x256xf32, #tpu.memory_space<hbm>>
    tpu.wait_dma2 semaphore(%arg11 : memref<!tpu.dma_semaphore, #tpu.memory_space<semaphore_mem>>) src(%arg7 : memref<128x256xf32, #tpu.memory_space<vmem>>) dst(%dma_wait3A_97 : memref<128x256xf32, #tpu.memory_space<hbm>>)
    %add3A_98 = arith.constant 6 : i32
    %add3A_99 = arith.addi %mul3A_4, %add3A_98 : i32
    "tpu.region"() ({
      %run_scoped3A = tpu.sem_alloc : memref<!tpu.dma_semaphore, #tpu.memory_space<semaphore_mem>>
      %dma_start3A_147 = arith.constant 0 : i32
      %dma_start3A_148 = tpu.memref_slice %arg3[%add3A_99, %dma_start3A_147] : memref<256x128xi32, #tpu.memory_space<hbm>> -> memref<1x128xi32, #tpu.memory_space<hbm>>
      %dma_start3A_149 = tpu.memref_squeeze %dma_start3A_148 : memref<1x128xi32, #tpu.memory_space<hbm>> -> memref<128xi32, #tpu.memory_space<hbm>>
      %dma_start3A_150 = arith.constant 0 : i32
      %dma_start3A_151 = tpu.memref_slice %arg3[%add3A_99, %dma_start3A_150] : memref<256x128xi32, #tpu.memory_space<hbm>> -> memref<1x128xi32, #tpu.memory_space<hbm>>
      %dma_start3A_152 = tpu.memref_squeeze %dma_start3A_151 : memref<1x128xi32, #tpu.memory_space<hbm>> -> memref<128xi32, #tpu.memory_space<hbm>>
      tpu.enqueue_dma source(%dma_start3A_152 : memref<128xi32, #tpu.memory_space<hbm>>) target(%arg5 : memref<128xi32, #tpu.memory_space<vmem>>) target_semaphore(%run_scoped3A : memref<!tpu.dma_semaphore, #tpu.memory_space<semaphore_mem>>)
      %dma_wait3A_153 = arith.constant 0 : i32
      %dma_wait3A_154 = tpu.memref_slice %arg3[%add3A_99, %dma_wait3A_153] : memref<256x128xi32, #tpu.memory_space<hbm>> -> memref<1x128xi32, #tpu.memory_space<hbm>>
      %dma_wait3A_155 = tpu.memref_squeeze %dma_wait3A_154 : memref<1x128xi32, #tpu.memory_space<hbm>> -> memref<128xi32, #tpu.memory_space<hbm>>
      %dma_wait3A_156 = arith.constant 0 : i32
      %dma_wait3A_157 = tpu.memref_slice %arg3[%add3A_99, %dma_wait3A_156] : memref<256x128xi32, #tpu.memory_space<hbm>> -> memref<1x128xi32, #tpu.memory_space<hbm>>
      %dma_wait3A_158 = tpu.memref_squeeze %dma_wait3A_157 : memref<1x128xi32, #tpu.memory_space<hbm>> -> memref<128xi32, #tpu.memory_space<hbm>>
      tpu.wait_dma2 semaphore(%run_scoped3A : memref<!tpu.dma_semaphore, #tpu.memory_space<semaphore_mem>>) src(%dma_wait3A_158 : memref<128xi32, #tpu.memory_space<hbm>>) dst(%arg5 : memref<128xi32, #tpu.memory_space<vmem>>)
      tpu.yield
    }) : () -> ()
    %dma_start3A_100 = arith.constant 0 : i32
    %dma_start3A_101 = arith.constant 0 : i32
    %dma_start3A_102 = tpu.memref_slice %arg2[%dma_start3A_100, %dma_start3A_101] : memref<1024x256xf32, #tpu.memory_space<hbm>> -> memref<1024x256xf32, #tpu.memory_space<hbm>>
    tpu.enqueue_indirect_dma source(%dma_start3A_102 : memref<1024x256xf32, #tpu.memory_space<hbm>>) target(%arg7 : memref<128x256xf32, #tpu.memory_space<vmem>>) offsets(%arg5 : memref<128xi32, #tpu.memory_space<vmem>>) semaphore(%arg9 : memref<!tpu.dma_semaphore, #tpu.memory_space<semaphore_mem>>)
    %dma_wait3A_103 = arith.constant 0 : i32
    %dma_wait3A_104 = arith.constant 0 : i32
    %dma_wait3A_105 = tpu.memref_slice %arg2[%dma_wait3A_103, %dma_wait3A_104] : memref<1024x256xf32, #tpu.memory_space<hbm>> -> memref<1024x256xf32, #tpu.memory_space<hbm>>
    tpu.wait_indirect_dma semaphore(%arg10 : memref<!tpu.dma_semaphore, #tpu.memory_space<semaphore_mem>>) src(%dma_wait3A_105 : memref<1024x256xf32, #tpu.memory_space<hbm>>) dst(%arg8 : memref<128x256xf32, #tpu.memory_space<vmem>>)
    %add3A_106 = arith.constant 640 : i32
    %add3A_107 = arith.addi %mul3A_2, %add3A_106 : i32
    %dma_start3A_108 = arith.constant 0 : i32
    %dma_start3A_109 = tpu.memref_slice %arg4[%add3A_107, %dma_start3A_108] : memref<32768x256xf32, #tpu.memory_space<hbm>> -> memref<128x256xf32, #tpu.memory_space<hbm>>
    %dma_start3A_110 = arith.constant 0 : i32
    %dma_start3A_111 = tpu.memref_slice %arg4[%add3A_107, %dma_start3A_110] : memref<32768x256xf32, #tpu.memory_space<hbm>> -> memref<128x256xf32, #tpu.memory_space<hbm>>
    tpu.enqueue_dma source(%arg8 : memref<128x256xf32, #tpu.memory_space<vmem>>) target(%dma_start3A_111 : memref<128x256xf32, #tpu.memory_space<hbm>>) target_semaphore(%arg12 : memref<!tpu.dma_semaphore, #tpu.memory_space<semaphore_mem>>)
    %dma_wait3A_112 = arith.constant 0 : i32
    %dma_wait3A_113 = tpu.memref_slice %arg4[%add3A_107, %dma_wait3A_112] : memref<32768x256xf32, #tpu.memory_space<hbm>> -> memref<128x256xf32, #tpu.memory_space<hbm>>
    %dma_wait3A_114 = arith.constant 0 : i32
    %dma_wait3A_115 = tpu.memref_slice %arg4[%add3A_107, %dma_wait3A_114] : memref<32768x256xf32, #tpu.memory_space<hbm>> -> memref<128x256xf32, #tpu.memory_space<hbm>>
    tpu.wait_dma2 semaphore(%arg12 : memref<!tpu.dma_semaphore, #tpu.memory_space<semaphore_mem>>) src(%arg8 : memref<128x256xf32, #tpu.memory_space<vmem>>) dst(%dma_wait3A_115 : memref<128x256xf32, #tpu.memory_space<hbm>>)
    %add3A_116 = arith.constant 7 : i32
    %add3A_117 = arith.addi %mul3A_4, %add3A_116 : i32
    "tpu.region"() ({
      %run_scoped3A = tpu.sem_alloc : memref<!tpu.dma_semaphore, #tpu.memory_space<semaphore_mem>>
      %dma_start3A_147 = arith.constant 0 : i32
      %dma_start3A_148 = tpu.memref_slice %arg3[%add3A_117, %dma_start3A_147] : memref<256x128xi32, #tpu.memory_space<hbm>> -> memref<1x128xi32, #tpu.memory_space<hbm>>
      %dma_start3A_149 = tpu.memref_squeeze %dma_start3A_148 : memref<1x128xi32, #tpu.memory_space<hbm>> -> memref<128xi32, #tpu.memory_space<hbm>>
      %dma_start3A_150 = arith.constant 0 : i32
      %dma_start3A_151 = tpu.memref_slice %arg3[%add3A_117, %dma_start3A_150] : memref<256x128xi32, #tpu.memory_space<hbm>> -> memref<1x128xi32, #tpu.memory_space<hbm>>
      %dma_start3A_152 = tpu.memref_squeeze %dma_start3A_151 : memref<1x128xi32, #tpu.memory_space<hbm>> -> memref<128xi32, #tpu.memory_space<hbm>>
      tpu.enqueue_dma source(%dma_start3A_152 : memref<128xi32, #tpu.memory_space<hbm>>) target(%arg6 : memref<128xi32, #tpu.memory_space<vmem>>) target_semaphore(%run_scoped3A : memref<!tpu.dma_semaphore, #tpu.memory_space<semaphore_mem>>)
      %dma_wait3A_153 = arith.constant 0 : i32
      %dma_wait3A_154 = tpu.memref_slice %arg3[%add3A_117, %dma_wait3A_153] : memref<256x128xi32, #tpu.memory_space<hbm>> -> memref<1x128xi32, #tpu.memory_space<hbm>>
      %dma_wait3A_155 = tpu.memref_squeeze %dma_wait3A_154 : memref<1x128xi32, #tpu.memory_space<hbm>> -> memref<128xi32, #tpu.memory_space<hbm>>
      %dma_wait3A_156 = arith.constant 0 : i32
      %dma_wait3A_157 = tpu.memref_slice %arg3[%add3A_117, %dma_wait3A_156] : memref<256x128xi32, #tpu.memory_space<hbm>> -> memref<1x128xi32, #tpu.memory_space<hbm>>
      %dma_wait3A_158 = tpu.memref_squeeze %dma_wait3A_157 : memref<1x128xi32, #tpu.memory_space<hbm>> -> memref<128xi32, #tpu.memory_space<hbm>>
      tpu.wait_dma2 semaphore(%run_scoped3A : memref<!tpu.dma_semaphore, #tpu.memory_space<semaphore_mem>>) src(%dma_wait3A_158 : memref<128xi32, #tpu.memory_space<hbm>>) dst(%arg6 : memref<128xi32, #tpu.memory_space<vmem>>)
      tpu.yield
    }) : () -> ()
    %dma_start3A_118 = arith.constant 0 : i32
    %dma_start3A_119 = arith.constant 0 : i32
    %dma_start3A_120 = tpu.memref_slice %arg2[%dma_start3A_118, %dma_start3A_119] : memref<1024x256xf32, #tpu.memory_space<hbm>> -> memref<1024x256xf32, #tpu.memory_space<hbm>>
    tpu.enqueue_indirect_dma source(%dma_start3A_120 : memref<1024x256xf32, #tpu.memory_space<hbm>>) target(%arg8 : memref<128x256xf32, #tpu.memory_space<vmem>>) offsets(%arg6 : memref<128xi32, #tpu.memory_space<vmem>>) semaphore(%arg10 : memref<!tpu.dma_semaphore, #tpu.memory_space<semaphore_mem>>)
    %dma_wait3A_121 = arith.constant 0 : i32
    %dma_wait3A_122 = arith.constant 0 : i32
    %dma_wait3A_123 = tpu.memref_slice %arg2[%dma_wait3A_121, %dma_wait3A_122] : memref<1024x256xf32, #tpu.memory_space<hbm>> -> memref<1024x256xf32, #tpu.memory_space<hbm>>
    tpu.wait_indirect_dma semaphore(%arg9 : memref<!tpu.dma_semaphore, #tpu.memory_space<semaphore_mem>>) src(%dma_wait3A_123 : memref<1024x256xf32, #tpu.memory_space<hbm>>) dst(%arg7 : memref<128x256xf32, #tpu.memory_space<vmem>>)
    %add3A_124 = arith.constant 768 : i32
    %add3A_125 = arith.addi %mul3A_2, %add3A_124 : i32
    %dma_start3A_126 = arith.constant 0 : i32
    %dma_start3A_127 = tpu.memref_slice %arg4[%add3A_125, %dma_start3A_126] : memref<32768x256xf32, #tpu.memory_space<hbm>> -> memref<128x256xf32, #tpu.memory_space<hbm>>
    %dma_start3A_128 = arith.constant 0 : i32
    %dma_start3A_129 = tpu.memref_slice %arg4[%add3A_125, %dma_start3A_128] : memref<32768x256xf32, #tpu.memory_space<hbm>> -> memref<128x256xf32, #tpu.memory_space<hbm>>
    tpu.enqueue_dma source(%arg7 : memref<128x256xf32, #tpu.memory_space<vmem>>) target(%dma_start3A_129 : memref<128x256xf32, #tpu.memory_space<hbm>>) target_semaphore(%arg11 : memref<!tpu.dma_semaphore, #tpu.memory_space<semaphore_mem>>)
    %dma_wait3A_130 = arith.constant 0 : i32
    %dma_wait3A_131 = arith.constant 0 : i32
    %dma_wait3A_132 = tpu.memref_slice %arg2[%dma_wait3A_130, %dma_wait3A_131] : memref<1024x256xf32, #tpu.memory_space<hbm>> -> memref<1024x256xf32, #tpu.memory_space<hbm>>
    tpu.wait_indirect_dma semaphore(%arg10 : memref<!tpu.dma_semaphore, #tpu.memory_space<semaphore_mem>>) src(%dma_wait3A_132 : memref<1024x256xf32, #tpu.memory_space<hbm>>) dst(%arg8 : memref<128x256xf32, #tpu.memory_space<vmem>>)
    %add3A_133 = arith.constant 896 : i32
    %add3A_134 = arith.addi %mul3A_2, %add3A_133 : i32
    %dma_start3A_135 = arith.constant 0 : i32
    %dma_start3A_136 = tpu.memref_slice %arg4[%add3A_134, %dma_start3A_135] : memref<32768x256xf32, #tpu.memory_space<hbm>> -> memref<128x256xf32, #tpu.memory_space<hbm>>
    %dma_start3A_137 = arith.constant 0 : i32
    %dma_start3A_138 = tpu.memref_slice %arg4[%add3A_134, %dma_start3A_137] : memref<32768x256xf32, #tpu.memory_space<hbm>> -> memref<128x256xf32, #tpu.memory_space<hbm>>
    tpu.enqueue_dma source(%arg8 : memref<128x256xf32, #tpu.memory_space<vmem>>) target(%dma_start3A_138 : memref<128x256xf32, #tpu.memory_space<hbm>>) target_semaphore(%arg12 : memref<!tpu.dma_semaphore, #tpu.memory_space<semaphore_mem>>)
    %dma_wait3A_139 = arith.constant 0 : i32
    %dma_wait3A_140 = tpu.memref_slice %arg4[%add3A_125, %dma_wait3A_139] : memref<32768x256xf32, #tpu.memory_space<hbm>> -> memref<128x256xf32, #tpu.memory_space<hbm>>
    %dma_wait3A_141 = arith.constant 0 : i32
    %dma_wait3A_142 = tpu.memref_slice %arg4[%add3A_125, %dma_wait3A_141] : memref<32768x256xf32, #tpu.memory_space<hbm>> -> memref<128x256xf32, #tpu.memory_space<hbm>>
    tpu.wait_dma2 semaphore(%arg11 : memref<!tpu.dma_semaphore, #tpu.memory_space<semaphore_mem>>) src(%arg7 : memref<128x256xf32, #tpu.memory_space<vmem>>) dst(%dma_wait3A_142 : memref<128x256xf32, #tpu.memory_space<hbm>>)
    %dma_wait3A_143 = arith.constant 0 : i32
    %dma_wait3A_144 = tpu.memref_slice %arg4[%add3A_134, %dma_wait3A_143] : memref<32768x256xf32, #tpu.memory_space<hbm>> -> memref<128x256xf32, #tpu.memory_space<hbm>>
    %dma_wait3A_145 = arith.constant 0 : i32
    %dma_wait3A_146 = tpu.memref_slice %arg4[%add3A_134, %dma_wait3A_145] : memref<32768x256xf32, #tpu.memory_space<hbm>> -> memref<128x256xf32, #tpu.memory_space<hbm>>
    tpu.wait_dma2 semaphore(%arg12 : memref<!tpu.dma_semaphore, #tpu.memory_space<semaphore_mem>>) src(%arg8 : memref<128x256xf32, #tpu.memory_space<vmem>>) dst(%dma_wait3A_146 : memref<128x256xf32, #tpu.memory_space<hbm>>)
    return
  }
}

module attributes {stable_mosaic.version = 14 : i64} {
  func.func @_vq_body(%arg0: i32, %arg1: memref<4096x256xf32, #tpu.memory_space<vmem>>, %arg2: memref<1024x256xf32, #tpu.memory_space<vmem>>, %arg3: memref<1024x64xbf16, #tpu.memory_space<vmem>>, %arg4: memref<1x4096xbf16, #tpu.memory_space<vmem>>, %arg5: memref<1x1x4096xi32, #tpu.memory_space<vmem>>, %arg6: memref<1x1xf32, #tpu.memory_space<smem>>, %arg7: memref<1x1xf32, #tpu.memory_space<smem>>, %arg8: memref<1x1024xf32, #tpu.memory_space<vmem>>) attributes {dimension_semantics = [#tpu.dimension_semantics<arbitrary>], iteration_bounds = array<i64: 8>, scalar_prefetch = 0 : i64, scratch_operands = 1 : i64, tpu.core_type = #tpu.core_type<tc>, window_params = [{transform_indices = @transform_0, window_bounds = array<i64: 4096, 256>}, {pipeline_mode = #tpu.pipeline_mode<synchronous>, transform_indices = @transform_1, window_bounds = array<i64: 1024, 256>}, {pipeline_mode = #tpu.pipeline_mode<synchronous>, transform_indices = @transform_2, window_bounds = array<i64: 1024, 64>}, {pipeline_mode = #tpu.pipeline_mode<synchronous>, transform_indices = @transform_3, window_bounds = array<i64: 1, 4096>}, {transform_indices = @transform_4, window_bounds = array<i64: 1, 1, 4096>}, {transform_indices = @transform_5, window_bounds = array<i64: 1, 1>}, {transform_indices = @transform_6, window_bounds = array<i64: 1, 1>}]} {
    %get3A = arith.constant 0 : index
    %get3A_0 = arith.constant 0 : index
    %get3A_1 = vector.load %arg1[%get3A, %get3A_0] : memref<4096x256xf32, #tpu.memory_space<vmem>>, vector<4096x256xf32>
    %get3A_2 = arith.constant 0 : index
    %get3A_3 = arith.constant 0 : index
    %get3A_4 = vector.load %arg2[%get3A_2, %get3A_3] : memref<1024x256xf32, #tpu.memory_space<vmem>>, vector<1024x256xf32>
    %dot_general3A = arith.constant dense<0.000000e+00> : vector<4096x1024xf32>
    %dot_general3A_5 = tpu.matmul %get3A_1, %get3A_4, %dot_general3A {dimension_numbers = #tpu.dot_dimension_numbers<[1], [1], [0], [0], [0, 0, 1, 0], [], []>, transpose_lhs_hint = false} : vector<4096x256xf32>, vector<1024x256xf32>, vector<4096x1024xf32> -> vector<4096x1024xf32>
    %mul3A = arith.mulf %get3A_1, %get3A_1 : vector<4096x256xf32>
    %reduce_sum3A = arith.constant dense<0.000000e+00> : vector<4096xf32>
    %reduce_sum3A_6 = vector.multi_reduction <add>, %mul3A, %reduce_sum3A [1] : vector<4096x256xf32> to vector<4096xf32>
    %broadcast_in_dim3A = vector.shape_cast %reduce_sum3A_6 : vector<4096xf32> to vector<4096x1xf32>
    %mul3A_7 = arith.mulf %get3A_4, %get3A_4 : vector<1024x256xf32>
    %reduce_sum3A_8 = arith.constant dense<0.000000e+00> : vector<1024xf32>
    %reduce_sum3A_9 = vector.multi_reduction <add>, %mul3A_7, %reduce_sum3A_8 [1] : vector<1024x256xf32> to vector<1024xf32>
    %broadcast_in_dim3A_10 = vector.shape_cast %reduce_sum3A_9 : vector<1024xf32> to vector<1x1024xf32>
    %add3A = vector.broadcast %broadcast_in_dim3A : vector<4096x1xf32> to vector<4096x1024xf32>
    %add3A_11 = vector.broadcast %broadcast_in_dim3A_10 : vector<1x1024xf32> to vector<4096x1024xf32>
    %add3A_12 = arith.addf %add3A, %add3A_11 : vector<4096x1024xf32>
    %mul3A_13 = arith.constant 2.000000e+00 : f32
    %mul3A_14 = vector.broadcast %mul3A_13 : f32 to vector<4096x1024xf32>
    %mul3A_15 = arith.mulf %mul3A_14, %dot_general3A_5 : vector<4096x1024xf32>
    %sub3A = arith.subf %add3A_12, %mul3A_15 : vector<4096x1024xf32>
    %reduce_min3A = arith.constant dense<0x7F800000> : vector<4096xf32>
    %reduce_min3A_16 = vector.multi_reduction <minimumf>, %sub3A, %reduce_min3A [1] : vector<4096x1024xf32> to vector<4096xf32>
    %broadcast_in_dim3A_17 = vector.shape_cast %reduce_min3A_16 : vector<4096xf32> to vector<4096x1xf32>
    %eq3A = vector.broadcast %broadcast_in_dim3A_17 : vector<4096x1xf32> to vector<4096x1024xf32>
    %eq3A_18 = arith.cmpf oeq, %sub3A, %eq3A : vector<4096x1024xf32>
    %convert_element_type3A = arith.extui %eq3A_18 : vector<4096x1024xi1> to vector<4096x1024xi32>
    %convert_element_type3A_19 = arith.sitofp %convert_element_type3A : vector<4096x1024xi32> to vector<4096x1024xf32>
    %convert_element_type3A_20 = arith.truncf %convert_element_type3A_19 : vector<4096x1024xf32> to vector<4096x1024xbf16>
    %get3A_21 = arith.constant 0 : index
    %get3A_22 = arith.constant 0 : index
    %get3A_23 = vector.load %arg3[%get3A_21, %get3A_22] : memref<1024x64xbf16, #tpu.memory_space<vmem>>, vector<1024x64xbf16>
    %dot_general3A_24 = arith.constant dense<0.000000e+00> : vector<64x4096xf32>
    %dot_general3A_25 = tpu.matmul %get3A_23, %convert_element_type3A_20, %dot_general3A_24 {dimension_numbers = #tpu.dot_dimension_numbers<[0], [1], [1], [0], [0, 1, 1, 0], [], []>, transpose_lhs_hint = false} : vector<1024x64xbf16>, vector<4096x1024xbf16>, vector<64x4096xf32> -> vector<64x4096xf32>
    %bitcast_convert_type3A = tpu.bitcast %dot_general3A_25 : vector<64x4096xf32> -> vector<64x4096xi32>
    %shift_right_arithmetic3A = arith.constant 23 : i32
    %shift_right_arithmetic3A_26 = vector.broadcast %shift_right_arithmetic3A : i32 to vector<64x4096xi32>
    %shift_right_arithmetic3A_27 = arith.shrsi %bitcast_convert_type3A, %shift_right_arithmetic3A_26 : vector<64x4096xi32>
    %sub3A_28 = arith.constant 127 : i32
    %sub3A_29 = vector.broadcast %sub3A_28 : i32 to vector<64x4096xi32>
    %sub3A_30 = arith.subi %shift_right_arithmetic3A_27, %sub3A_29 : vector<64x4096xi32>
    %sub3A_31 = arith.constant 15 : i32
    %sub3A_32 = vector.broadcast %sub3A_31 : i32 to vector<64x4096xi32>
    %sub3A_33 = arith.subi %sub3A_32, %sub3A_30 : vector<64x4096xi32>
    %iota3A = tpu.iota {dimensions = array<i32: 0>} : vector<64x4096xi32>
    %gt3A = arith.constant 0.000000e+00 : f32
    %gt3A_34 = vector.broadcast %gt3A : f32 to vector<64x4096xf32>
    %gt3A_35 = arith.cmpf ogt, %dot_general3A_25, %gt3A_34 : vector<64x4096xf32>
    %mul3A_36 = arith.constant 16 : i32
    %mul3A_37 = vector.broadcast %mul3A_36 : i32 to vector<64x4096xi32>
    %mul3A_38 = arith.muli %iota3A, %mul3A_37 : vector<64x4096xi32>
    %add3A_39 = arith.addi %mul3A_38, %sub3A_33 : vector<64x4096xi32>
    %jit3A = arith.constant 1024 : i32
    %broadcast_in_dim3A_40 = vector.broadcast %jit3A : i32 to vector<64x4096xi32>
    %select_n3A = arith.select %gt3A_35, %add3A_39, %broadcast_in_dim3A_40 : vector<64x4096xi1>, vector<64x4096xi32>
    %reduce_min3A_41 = arith.constant dense<2147483647> : vector<4096xi32>
    %reduce_min3A_42 = vector.multi_reduction <minsi>, %select_n3A, %reduce_min3A_41 [0] : vector<64x4096xi32> to vector<4096xi32>
    %swap3A = arith.constant 0 : index
    %swap3A_43 = arith.constant 0 : index
    %swap3A_44 = arith.constant 0 : index
    %swap3A_45 = vector.load %arg5[%swap3A, %swap3A_43, %swap3A_44] : memref<1x1x4096xi32, #tpu.memory_space<vmem>>, vector<1x1x4096xi32>
    %swap3A_46 = vector.shape_cast %swap3A_45 : vector<1x1x4096xi32> to vector<4096xi32>
    %swap3A_47 = vector.shape_cast %reduce_min3A_42 : vector<4096xi32> to vector<1x1x4096xi32>
    tpu.vector_store %arg5[%swap3A, %swap3A_43, %swap3A_44], %swap3A_47 {strides = array<i32>} : memref<1x1x4096xi32, #tpu.memory_space<vmem>>, vector<1x1x4096xi32>,
    %iota3A_48 = tpu.iota {dimensions = array<i32: 0>} : vector<1024x4096xi32>
    %broadcast_in_dim3A_49 = vector.shape_cast %reduce_min3A_42 : vector<4096xi32> to vector<1x4096xi32>
    %eq3A_50 = vector.broadcast %broadcast_in_dim3A_49 : vector<1x4096xi32> to vector<1024x4096xi32>
    %eq3A_51 = arith.cmpi eq, %iota3A_48, %eq3A_50 : vector<1024x4096xi32>
    %convert_element_type3A_52 = arith.extui %eq3A_51 : vector<1024x4096xi1> to vector<1024x4096xi32>
    %convert_element_type3A_53 = arith.sitofp %convert_element_type3A_52 : vector<1024x4096xi32> to vector<1024x4096xf32>
    %convert_element_type3A_54 = arith.truncf %convert_element_type3A_53 : vector<1024x4096xf32> to vector<1024x4096xbf16>
    %reduce_sum3A_55 = vector.shape_cast %broadcast_in_dim3A_17 : vector<4096x1xf32> to vector<1x4096x1xf32>
    %reduce_sum3A_56 = arith.constant dense<0.000000e+00> : vector<1xf32>
    %reduce_sum3A_57 = vector.multi_reduction <add>, %reduce_sum3A_55, %reduce_sum3A_56 [1, 2] : vector<1x4096x1xf32> to vector<1xf32>
    %reduce_sum3A_58 = vector.shape_cast %reduce_sum3A_57 : vector<1xf32> to vector<1x1x1xf32>
    %reduce_sum3A_59 = vector.extract %reduce_sum3A_58[0, 0, 0] : f32 from vector<1x1x1xf32>
    %get3A_60 = arith.constant 0 : index
    %get3A_61 = arith.constant 0 : index
    %get3A_62 = vector.load %arg4[%get3A_60, %get3A_61] : memref<1x4096xbf16, #tpu.memory_space<vmem>>, vector<1x4096xbf16>
    %dot_general3A_63 = arith.constant dense<0.000000e+00> : vector<1x1024xf32>
    %dot_general3A_64 = tpu.matmul %get3A_62, %convert_element_type3A_54, %dot_general3A_63 {dimension_numbers = #tpu.dot_dimension_numbers<[1], [1], [0], [0], [0, 0, 1, 0], [], []>, transpose_lhs_hint = false} : vector<1x4096xbf16>, vector<1024x4096xbf16>, vector<1x1024xf32> -> vector<1x1024xf32>
    %eq3A_65 = arith.constant 0 : i32
    %eq3A_66 = arith.cmpi eq, %arg0, %eq3A_65 : i32
    %convert_element_type3A_67 = arith.extui %eq3A_66 : i1 to i32
    %cond3A = arith.constant 0 : i32
    %cond3A_68 = arith.cmpi ne, %convert_element_type3A_67, %cond3A : i32
    scf.if %cond3A_68 {
      %swap3A_88 = arith.constant 0.000000e+00 : f32
      %swap3A_89 = arith.constant 0 : index
      %swap3A_90 = arith.constant 0 : index
      %swap3A_91 = memref.load %arg6[%swap3A_89, %swap3A_90] : memref<1x1xf32, #tpu.memory_space<smem>>
      memref.store %swap3A_88, %arg6[%swap3A_89, %swap3A_90] : memref<1x1xf32, #tpu.memory_space<smem>>
      %broadcast_in_dim3A_92 = arith.constant 0.000000e+00 : f32
      %broadcast_in_dim3A_93 = vector.broadcast %broadcast_in_dim3A_92 : f32 to vector<1x1024xf32>
      %swap3A_94 = arith.constant 0 : index
      %swap3A_95 = arith.constant 0 : index
      %swap3A_96 = vector.load %arg8[%swap3A_94, %swap3A_95] : memref<1x1024xf32, #tpu.memory_space<vmem>>, vector<1x1024xf32>
      tpu.vector_store %arg8[%swap3A_94, %swap3A_95], %broadcast_in_dim3A_93 {strides = array<i32>} : memref<1x1024xf32, #tpu.memory_space<vmem>>, vector<1x1024xf32>,
    } else {
    }
    %get3A_69 = arith.constant 0 : index
    %get3A_70 = arith.constant 0 : index
    %get3A_71 = memref.load %arg6[%get3A_69, %get3A_70] : memref<1x1xf32, #tpu.memory_space<smem>>
    %add3A_72 = arith.addf %get3A_71, %reduce_sum3A_59 : f32
    %swap3A_73 = arith.constant 0 : index
    %swap3A_74 = arith.constant 0 : index
    %swap3A_75 = memref.load %arg6[%swap3A_73, %swap3A_74] : memref<1x1xf32, #tpu.memory_space<smem>>
    memref.store %add3A_72, %arg6[%swap3A_73, %swap3A_74] : memref<1x1xf32, #tpu.memory_space<smem>>
    %get3A_76 = arith.constant 0 : index
    %get3A_77 = arith.constant 0 : index
    %get3A_78 = vector.load %arg8[%get3A_76, %get3A_77] : memref<1x1024xf32, #tpu.memory_space<vmem>>, vector<1x1024xf32>
    %add3A_79 = arith.addf %get3A_78, %dot_general3A_64 : vector<1x1024xf32>
    %swap3A_80 = arith.constant 0 : index
    %swap3A_81 = arith.constant 0 : index
    %swap3A_82 = vector.load %arg8[%swap3A_80, %swap3A_81] : memref<1x1024xf32, #tpu.memory_space<vmem>>, vector<1x1024xf32>
    tpu.vector_store %arg8[%swap3A_80, %swap3A_81], %add3A_79 {strides = array<i32>} : memref<1x1024xf32, #tpu.memory_space<vmem>>, vector<1x1024xf32>,
    %eq3A_83 = arith.constant 7 : i32
    %eq3A_84 = arith.cmpi eq, %arg0, %eq3A_83 : i32
    %convert_element_type3A_85 = arith.extui %eq3A_84 : i1 to i32
    %cond3A_86 = arith.constant 0 : i32
    %cond3A_87 = arith.cmpi ne, %convert_element_type3A_85, %cond3A_86 : i32
    scf.if %cond3A_87 {
      %get3A_88 = arith.constant 0 : index
      %get3A_89 = arith.constant 0 : index
      %get3A_90 = vector.load %arg8[%get3A_88, %get3A_89] : memref<1x1024xf32, #tpu.memory_space<vmem>>, vector<1x1024xf32>
      %div3A = arith.constant 3.276800e+04 : f32
      %div3A_91 = vector.broadcast %div3A : f32 to vector<1x1024xf32>
      %div3A_92 = arith.divf %get3A_90, %div3A_91 : vector<1x1024xf32>
      %add3A_93 = arith.constant 1.000000e-10 : f32
      %add3A_94 = vector.broadcast %add3A_93 : f32 to vector<1x1024xf32>
      %add3A_95 = arith.addf %div3A_92, %add3A_94 : vector<1x1024xf32>
      %log3A = math.log %add3A_95 : vector<1x1024xf32>
      %mul3A_96 = arith.mulf %div3A_92, %log3A : vector<1x1024xf32>
      %reduce_sum3A_97 = vector.shape_cast %mul3A_96 : vector<1x1024xf32> to vector<1x1x1024xf32>
      %reduce_sum3A_98 = arith.constant dense<0.000000e+00> : vector<1xf32>
      %reduce_sum3A_99 = vector.multi_reduction <add>, %reduce_sum3A_97, %reduce_sum3A_98 [1, 2] : vector<1x1x1024xf32> to vector<1xf32>
      %reduce_sum3A_100 = vector.shape_cast %reduce_sum3A_99 : vector<1xf32> to vector<1x1x1xf32>
      %reduce_sum3A_101 = vector.extract %reduce_sum3A_100[0, 0, 0] : f32 from vector<1x1x1xf32>
      %neg3A = arith.constant 0.000000e+00 : f32
      %neg3A_102 = arith.subf %neg3A, %reduce_sum3A_101 : f32
      %exp3A = math.exp %neg3A_102 : f32
      %swap3A_103 = arith.constant 0 : index
      %swap3A_104 = arith.constant 0 : index
      %swap3A_105 = memref.load %arg7[%swap3A_103, %swap3A_104] : memref<1x1xf32, #tpu.memory_space<smem>>
      memref.store %exp3A, %arg7[%swap3A_103, %swap3A_104] : memref<1x1xf32, #tpu.memory_space<smem>>
      %get3A_106 = arith.constant 0 : index
      %get3A_107 = arith.constant 0 : index
      %get3A_108 = memref.load %arg6[%get3A_106, %get3A_107] : memref<1x1xf32, #tpu.memory_space<smem>>
      %mul3A_109 = arith.constant 1.250000e+00 : f32
      %mul3A_110 = arith.mulf %mul3A_109, %get3A_108 : f32
      %mul3A_111 = arith.constant 3.276800e+04 : f32
      %mul3A_112 = arith.constant 2.560000e+02 : f32
      %mul3A_113 = arith.mulf %mul3A_111, %mul3A_112 : f32
      %div3A_114 = arith.divf %mul3A_110, %mul3A_113 : f32
      %swap3A_115 = arith.constant 0 : index
      %swap3A_116 = arith.constant 0 : index
      %swap3A_117 = memref.load %arg6[%swap3A_115, %swap3A_116] : memref<1x1xf32, #tpu.memory_space<smem>>
      memref.store %div3A_114, %arg6[%swap3A_115, %swap3A_116] : memref<1x1xf32, #tpu.memory_space<smem>>
    } else {
    }
    return
  }
  func.func @transform_0(%arg0: i32) -> (i32, i32) {
    %c0_i32 = arith.constant 0 : i32
    %c0_i32_0 = arith.constant 0 : i32
    return %arg0, %c0_i32 : i32, i32
  }
  func.func @transform_1(%arg0: i32) -> (i32, i32) {
    %c0_i32 = arith.constant 0 : i32
    %c0_i32_0 = arith.constant 0 : i32
    %c0_i32_1 = arith.constant 0 : i32
    return %c0_i32, %c0_i32_0 : i32, i32
  }
  func.func @transform_2(%arg0: i32) -> (i32, i32) {
    %c0_i32 = arith.constant 0 : i32
    %c0_i32_0 = arith.constant 0 : i32
    %c0_i32_1 = arith.constant 0 : i32
    return %c0_i32, %c0_i32_0 : i32, i32
  }
  func.func @transform_3(%arg0: i32) -> (i32, i32) {
    %c0_i32 = arith.constant 0 : i32
    %c0_i32_0 = arith.constant 0 : i32
    %c0_i32_1 = arith.constant 0 : i32
    return %c0_i32, %c0_i32_0 : i32, i32
  }
  func.func @transform_4(%arg0: i32) -> (i32, i32, i32) {
    %c0_i32 = arith.constant 0 : i32
    %c0_i32_0 = arith.constant 0 : i32
    %c0_i32_1 = arith.constant 0 : i32
    return %arg0, %c0_i32, %c0_i32_0 : i32, i32, i32
  }
  func.func @transform_5(%arg0: i32) -> (i32, i32) {
    %c0_i32 = arith.constant 0 : i32
    %c0_i32_0 = arith.constant 0 : i32
    %c0_i32_1 = arith.constant 0 : i32
    return %c0_i32, %c0_i32_0 : i32, i32
  }
  func.func @transform_6(%arg0: i32) -> (i32, i32) {
    %c0_i32 = arith.constant 0 : i32
    %c0_i32_0 = arith.constant 0 : i32
    %c0_i32_1 = arith.constant 0 : i32
    return %c0_i32, %c0_i32_0 : i32, i32
  }
}

</mosaic_0001>

<sc_bundles>
// kernel: kernel.4.cloned.1.call-start
scs
__scs_entry_jumppad:
0x0: {  	(pc) =	sbr.rel $0x88, $3  }
0x1: {  	(tag) =	ssettag $0x0;
	lr =	simm.s32 $0x1  }
0x2: {  	[smem:$0x3F9F] =	sst lr;
	_ =	strace $0xD0000000  }
0x3: {  	_ = 	snop  }
0x4: {  	_ = 	snop  }
0x5: {  	_ = 	snop  }
0x6: {  	_ = 	snop  }
0x7: {  	_ = 	snop  }
__scs_overlays_trampoline_lowered:
0x8: {  	[smem:$0x3FAE] =	sst s0  }
0x9: {  	[smem:$0x3FAF] =	sst s1  }
0xa: {  	[smem:$0x3FB0] =	sst s2  }
0xb: {  	[smem:$0x3FB1] =	sst s3  }
0xc: {  	[smem:$0x3FB2] =	sst s4  }
0xd: {  	[smem:$0x3FB3] =	sst s5  }
0xe: {  	[smem:$0x3FB4] =	sst s6  }
0xf: {  	[smem:$0x3FB5] =	sst s7  }
0x10: {  	[smem:$0x3FB6] =	sst s8  }
0x11: {  	[smem:$0x3FB7] =	sst s9;
	s0 =	simm.s32 @!p0 $0x0  }
0x12: {  	s1 =	sld [smem:$0x3F9D];
	s0 =	simm.s32 @p0 $0x1  }
0x13: {  	[smem:$0x3FB8] =	sst s0;
	s0 =	simm.s32 @!p1 $0x0  }
0x14: {  	s2 =	sld [smem:$0x3F9C];
	s0 =	simm.s32 @p1 $0x1  }
0x15: {  	[smem:$0x3FB9] =	sst s0;
	s0 =	simm.s32 @!p2 $0x0  }
0x16: {  	s3 =	sld [smem:$0x3FDB];
	s0 =	simm.s32 @p2 $0x1  }
0x17: {  	s4 =	simm.s32 $0x1BF5;
	[smem:$0x3FBB] =	sst s0  }
0x18: {  	s0 =	sld [smem:$0x3F9E];
	_ =	swait.ge [sflag:s4], $0x0  }
0x19: {  	s7 =	sld [smem:$0x3F9F]  }
0x1a: {  	s8 =	sadd.s32 $0xFFFFE003, lr  }
0x1b: {  	s9 =	sadd.s32 $0xFFFFFEF7, lr;
	s5 =	simm.s32 $0xFFFFFFFF;
	p2 =	slt.u32 s8, $0xFFFFF086  }
0x1c: {  	p1 =	slt.u32 s9, $0xF7A;
	s5 =	simm.s32 @!p2 $0x0  }
0x1d: {  	s5 =	simm.s32 @p1 $0x1;
	p0 =	seq.s32 s7, s2  }
0x1e: {  	s7 =	smul.u32 @!p0 $0xF7A, s2;
	p2 =	seq.s32 @!p0 s5, $0x0  }
0x1f: {  	s9 =	smul.u32 $0xF7A, s1;
	s8 =	simm.s32 @!p0 $0x1BF5;
	p2 =	por !p2, p0  }
0x20: {  	[sflag:s8] =	ssyncset.s32 @!p0 $0xFFFFF086;
	s6 =	sadd.s32 @!p0 s3, s7;
	s7 =	simm.s32 @!p0 $0x108  }
0x21: {  	s3 =	sadd.s32 s3, s9;
	s6 =	sadd.s32 @!p0 $0x88, s6;
	s7 =	simm.s32 @p2 $0x1082  }
0x22: {  	[simem:s7], [sflag:s8] =	dma.local @!p0 [hbm:s6], $0xF7A  }
0x23: {  	s9 =	sor.u32 $0xD0000000, s2;
	s6 =	simm.s32 $0x108;
	_ =	swait.ge @!p0 [sflag:s8], $0x0  }
0x24: {  	s3 =	sadd.s32 $0x88, s3;
	s6 =	simm.s32 @!p1 $0x1082;
	[sflag:s4] =	ssyncset.s32 $0xFFFFF086  }
0x25: {  	[simem:s6], [sflag:s4] =	dma.local [hbm:s3], $0xF7A  }
0x26: {  	[smem:$0x3F9F] =	sst s1;
	(tag) =	ssettag s2;
	_ =	strace s9  }
0x27: {  	s1 =	sld [smem:$0x3FAF]  }
0x28: {  	s2 =	sld [smem:$0x3FB0]  }
0x29: {  	s4 =	sld [smem:$0x3FB2]  }
0x2a: {  	p0 =	seq.s32 s5, $0x0;
	s5 =	sld [smem:$0x3FB3]  }
0x2b: {  	s6 =	sld [smem:$0x3FB4]  }
0x2c: {  	s7 =	sld [smem:$0x3FB5]  }
0x2d: {  	s3 =	simm.s32 $0x108;
	s8 =	sld [smem:$0x3FB6]  }
0x2e: {  	s3 =	simm.s32 @!p0 $0x1082;
	s9 =	sld [smem:$0x3FB7]  }
0x2f: {  	lr =	sadd.s32 s0, s3;
	s0 =	sld [smem:$0x3FAE]  }
0x30: {  	s3 =	sld [smem:$0x3FB1]  }
0x31: {  	[smem:$0x3FBA] =	sst s10  }
0x32: {  	s10 =	sld [smem:$0x3FB8];
	_ =	sdelay $0x3  }
0x33: {  	p0 =	seq.s32 s10, $0x1;
	s10 =	sld [smem:$0x3FBA];
	_ =	sdelay $0x3  }
0x34: {  	[smem:$0x3FBA] =	sst s10  }
0x35: {  	s10 =	sld [smem:$0x3FB9];
	_ =	sdelay $0x3  }
0x36: {  	p1 =	seq.s32 s10, $0x1;
	s10 =	sld [smem:$0x3FBA];
	_ =	sdelay $0x3  }
0x37: {  	[smem:$0x3FBA] =	sst s10  }
0x38: {  	s10 =	sld [smem:$0x3FBB]  }
0x39: {  	_ = 	snop;
	(pc) =	sbr.ind lr, $3  }
0x3a: {  	_ = 	snop  }
0x3b: {  	_ = 	snop  }
0x3c: {  	p2 =	seq.s32 s10, $0x1;
	s10 =	sld [smem:$0x3FBA]  }
0x3d: {  	_ =	shalt  }
0x3e: {  	_ =	shalt  }
0x3f: {  	_ =	shalt  }
0x40: {  	_ =	shalt  }
0x41: {  	_ =	shalt  }
0x42: {  	_ =	shalt  }
0x43: {  	_ =	shalt  }
0x44: {  	_ =	shalt  }
0x45: {  	_ =	shalt  }
0x46: {  	_ =	shalt  }
0x47: {  	_ =	shalt  }
0x48: {  	_ =	shalt  }
0x49: {  	_ =	shalt  }
0x4a: {  	_ =	shalt  }
0x4b: {  	_ =	shalt  }
0x4c: {  	_ =	shalt  }
0x4d: {  	_ =	shalt  }
0x4e: {  	_ =	shalt  }
0x4f: {  	_ =	shalt  }
0x50: {  	_ =	shalt  }
0x51: {  	_ =	shalt  }
0x52: {  	_ =	shalt  }
0x53: {  	_ =	shalt  }
0x54: {  	_ =	shalt  }
0x55: {  	_ =	shalt  }
0x56: {  	_ =	shalt  }
0x57: {  	_ =	shalt  }
0x58: {  	_ =	shalt  }
0x59: {  	_ =	shalt  }
0x5a: {  	_ =	shalt  }
0x5b: {  	_ =	shalt  }
0x5c: {  	_ =	shalt  }
0x5d: {  	_ =	shalt  }
0x5e: {  	_ =	shalt  }
0x5f: {  	_ =	shalt  }
0x60: {  	_ =	shalt  }
0x61: {  	_ =	shalt  }
0x62: {  	_ =	shalt  }
0x63: {  	_ =	shalt  }
0x64: {  	_ =	shalt  }
0x65: {  	_ =	shalt  }
0x66: {  	_ =	shalt  }
0x67: {  	_ =	shalt  }
0x68: {  	_ =	shalt  }
0x69: {  	_ =	shalt  }
0x6a: {  	_ =	shalt  }
0x6b: {  	_ =	shalt  }
0x6c: {  	_ =	shalt  }
0x6d: {  	_ =	shalt  }
0x6e: {  	_ =	shalt  }
0x6f: {  	_ =	shalt  }
0x70: {  	_ =	shalt  }
0x71: {  	_ =	shalt  }
0x72: {  	_ =	shalt  }
0x73: {  	_ =	shalt  }
0x74: {  	_ =	shalt  }
0x75: {  	_ =	shalt  }
0x76: {  	_ =	shalt  }
0x77: {  	_ =	shalt  }
0x78: {  	_ =	shalt  }
0x79: {  	_ =	shalt  }
0x7a: {  	_ =	shalt  }
0x7b: {  	_ =	shalt  }
0x7c: {  	_ =	shalt  }
0x7d: {  	_ =	shalt  }
0x7e: {  	_ =	shalt  }
0x7f: {  	_ =	shalt  }
0x80: {  	_ =	shalt  }
0x81: {  	_ =	shalt  }
0x82: {  	_ =	shalt  }
0x83: {  	_ =	shalt  }
0x84: {  	_ =	shalt  }
0x85: {  	_ =	shalt  }
0x86: {  	_ =	shalt  }
0x87: {  	_ =	shalt  }
.Lfunc_end0:
.L_simem_size_0:
called_computation_lowered:
.L_overlay_start_0:
0x88: {  	s2 =	sld [smem:$0x3FD9]  }
0x89: {  	s3 =	sld [smem:$0x3FFE];
	_ =	sdelay $0x1  }
0x8a: {  	s1 =	srdreg.scid  }
0x8b: {  	s0 =	sand.u32 $0x1, s1  }
0x8c: {  	s15 =	sshll.u32 s0, $0xA;
	s2 =	sadd.s32 s3, s2  }
0x8d: {  	s2 =	sadd.s32 s2, s15  }
0x8e: {  	[smem:$0x3FC6] =	sst s2  }
0x8f: {  	_ = 	snop  }
0x90: {  	s2 =	sld [smem:$0x3FD0];
	_ =	sdelay $0x2  }
0x91: {  	s4 =	simm.s32 $0xA;
	s5 =	simm.s32 $0x10;
	s16 =	sld [smem:$0x3FC8]  }
0x92: {  	[smem:s5], [sflag:s4] =	dma.local [hbm:s2], $0x1  }
0x93: {  	_ =	swait.eq [sflag:s4], $0x1  }
0x94: {  	[sflag:s4] =	ssyncset.done $0x0  }
0x95: {  	s17 =	sld [smem:$0x11];
	[sflag:s4] =	ssyncadd.s32 $0xFFFFFFFF  }
0x96: {  	s18 =	sld [smem:$0x12];
	(tm) =	ssettm $0x1  }
0x97: {  	s19 =	sld [smem:$0x3FFB];
	_ =	sdelay $0x3  }
0x98: {  	_ =	strace s19  }
0x99: {  	s5 =	sld [smem:$0x3FFC];
	_ =	sdelay $0x3  }
0x9a: {  	_ =	strace s5  }
0x9b: {  	s5 =	sld [smem:$0x3FFD];
	_ =	sdelay $0x3  }
0x9c: {  	_ =	strace s5  }
0x9d: {  	_ =	strace $0x8FFFFFFF  }
0x9e: {  	s20 =	sld [smem:$0x3FDB];
	_ =	sdelay $0x1  }
0x9f: {  	s6 =	simm.s32 $_scs_section_size  }
0xa0: {  	s7 =	simm.s32 $_size__tile_overlayer_lowered;
	s8 =	simm.s32 $_tile_overlayer_lowered  }
0xa1: {  	s23 =	simm.s32 $0x1BFF;
	s22 =	sshll.u32 s8, $0x1;
	s5 =	sadd.s32 s6, s20  }
0xa2: {  	s9 =	simm.s32 $0x0;
	s21 =	sshll.u32 s7, $0x1;
	s7 =	sadd.s32 s22, s5  }
0xa3: {  	[timem:s9], [sflag:s23] =	dma.local [hbm:s7], s21  }
0xa4: {  	_ =	swait.ge [sflag:s23], s21  }
0xa5: {  	s6 =	ssub.s32 $0x0, s21;
	[sflag:s23] =	ssyncset.done $0x0  }
0xa6: {  	[sflag:s23] =	ssyncadd.s32 s6;
	_ =	sdelay $0x1  }
0xa7: {  	s24 =	simm.s32 $0x1B8B  }
0xa8: {  	_ =	swait.ge [sflag:s24], $0x1  }
0xa9: {  	[sflag:s24] =	ssyncset.done $0x0  }
0xaa: {  	s25 =	simm.s32 $0x1B8E;
	[sflag:s24] =	ssyncadd.s32 $0xFFFFFFFF  }
0xab: {  	s26 =	simm.s32 $execute0_lowered;
	[smem:$0x3FD2] =	sst s25  }
0xac: {  	s6 =	sshll.u32 s26, $0x1;
	_ =	strace $0x80000046;
	[dreg:$0x1] =	wrdreg $0xFFFFFFFF  }
0xad: {  	s28 =	simm.s32 $_size_execute0_lowered;
	s5 =	sadd.s32 s5, s6;
	[dreg:$0x0] =	wrdreg $0x0  }
0xae: {  	s6 =	sshll.u32 s28, $0x1;
	[dreg:$0x2] =	wrdreg s5  }
0xaf: {  	[dreg:$0x3] =	wrdreg s6  }
0xb0: {  	[dreg:$0x4] =	wrdreg $0xC0  }
0xb1: {  	_ =	task [dreg:s9], $0x5FFFF  }
0xb2: {  	[dreg:$0x1] =	wrdreg $0xFFFFFFFF  }
0xb3: {  	[dreg:$0x0] =	wrdreg $0x60  }
0xb4: {  	[dreg:$0x2] =	wrdreg s16  }
0xb5: {  	[dreg:$0x3] =	wrdreg s18  }
0xb6: {  	[dreg:$0x4] =	wrdreg s17  }
0xb7: {  	[dreg:$0x5] =	wrdreg $0x9  }
0xb8: {  	_ =	task.clear_ibuf [dreg:s9], $0x6FFFF;
	_ =	strace $0x90000046  }
0xb9: {  	s29 =	simm.s32 $0x9;
	_ =	strace $0x80000048  }
0xba: {  	_ =	swait.ge [sflag:s29], $0x1  }
0xbb: {  	[sflag:s29] =	ssyncadd.s32 $0xFFFFFFFF  }
0xbc: {  	_ =	strace $0x90000048  }
0xbd: {  	_ =	sfence  }
0xbe: {  	s30 =	sld [smem:$0x0];
	_ =	sdelay $0x2  }
0xbf: {  	s31 =	sshll.u32 s1, $0xD;
	s1 =	sshrl.u32 s1, $0x2  }
0xc0: {  	s3 =	sand.u32 $0x4000, s31;
	s1 =	sadd.s32 s1, s30  }
0xc1: {  	s0 =	sor.u32 s3, s0;
	s1 =	sshll.u32 s1, $0x11  }
0xc2: {  	s0 =	sor.u32 s1, s0  }
0xc3: {  	s0 =	sadd.s32 $0x8F2B, s0  }
0xc4: {  	[sflag:s0] =	ssyncadd.remote.s32 $0x1  }
0xc5: {  	_ =	sfence.sel $0xFFFF  }
0xc6: {  	[dreg:$0x0] =	wrdreg $0xFFFFFFFF;
	(pc) =	sbr.abs _section_cstart, $3  }
0xc7: {  	[dreg:$0x1] =	wrdreg $0xFFFFFFFF  }
0xc8: {  	_ =	task.clear_ibuf [dreg:s9], $0x2FFFF;
	_ =	strace $0x9FFFFFFF  }
0xc9: {  	(tm) =	ssettm $0x7FFFFFFF  }
tec
execute0_lowered:
.L_overlay_start_1:
0x0: {  	(tag) =	ssettag $0x1  }
0x1: {  	s0 =	srdreg.scid;
	s3 =	stileid.u32  }
0x2: {  	s1 =	rddreg [dreg:$0x0];
	s0 =	sand.u32 $0x1, s0;
	s3 =	sshll.u32 s3, $0x1  }
0x3: {  	s2 =	rddreg [dreg:$0x1];
	s5 =	sor.u32 s0, s3  }
0x4: {  	s4 =	rddreg [dreg:$0x2];
	s3 =	simm.s32 $0x0;
	s6 =	sshll.u32 s5, $0x7  }
0x5: {  	[smem:$0x7FF] =	sst s3;
	s5 =	sshll.u32 s5, $0xF;
	s6 =	sadd.s32 s2, s6  }
0x6: {  	_ =	strace $0x80000047;
	s5 =	sadd.s32 s4, s5;
	[dreg:$0x12] =	wrdreg s6  }
0x7: {  	s2 =	sadd.s32 $0x10, s6;
	[dreg:$0x13] =	wrdreg s5  }
0x8: {  	s17 =	sadd.s32 $0x20, s6;
	[dreg:$0x4] =	wrdreg s2  }
0x9: {  	s18 =	sadd.s32 $0x1000, s5;
	[dreg:$0x5] =	wrdreg s17  }
0xa: {  	s19 =	sadd.s32 $0x30, s6;
	[dreg:$0x6] =	wrdreg s18  }
0xb: {  	s20 =	sadd.s32 $0x2000, s5;
	[dreg:$0x7] =	wrdreg s19  }
0xc: {  	s21 =	sadd.s32 $0x40, s6;
	[dreg:$0x8] =	wrdreg s20  }
0xd: {  	s22 =	sadd.s32 $0x3000, s5;
	[dreg:$0x9] =	wrdreg s21  }
0xe: {  	s23 =	sadd.s32 $0x50, s6;
	[dreg:$0xa] =	wrdreg s22  }
0xf: {  	s7 =	simm.s32 $0x5;
	s24 =	sadd.s32 $0x4000, s5;
	[dreg:$0xb] =	wrdreg s23  }
0x10: {  	s15 =	simm.s32 $0x1;
	s25 =	sadd.s32 $0x60, s6;
	[dreg:$0xc] =	wrdreg s24  }
0x11: {  	s16 =	simm.s32 $0x3;
	s26 =	sadd.s32 $0x5000, s5;
	[dreg:$0xd] =	wrdreg s25  }
0x12: {  	s0 =	ssub.s32 $0x2, s0;
	s28 =	sadd.s32 $0x70, s6;
	[dreg:$0xe] =	wrdreg s26  }
0x13: {  	s30 =	sshrl.u32 s0, $0x1;
	s29 =	sadd.s32 $0x6000, s5;
	[dreg:$0xf] =	wrdreg s28  }
0x14: {  	v2 =	vlaneseq.u32;
	s0 =	ssub.s32 s0, s30;
	s31 =	sadd.s32 $0x7000, s5;
	[dreg:$0x10] =	wrdreg s29  }
0x15: {  	vm0 =	vmmov $0xffff;
	v1 =	vshrl.u32 v2, $0x3;
	s6 =	smax.u32 s0, $0x1;
	[dreg:$0x11] =	wrdreg s31;
	s22 =	simm.s32 $0x100  }
0x16: {  	v0 =	vand.u32 $0x7, v2;
	v2 =	vor.u32 $0x8, v2;
	v1 =	vmul.u32 $0x8, v1;
	s25 =	simm.s32 $0x8100;
	s17 =	simm.s32 $0x2;
	s18 =	simm.s32 $0x4  }
.LBB2_1:
0x17: {  	s19 =	rddreg [dreg:$0x12]  }
0x18: {  	[tilespmem:s3], [sflag:$0x5] =	stream.linear.gather [hbm4b:s19+s3], $0x80, $0x38;
	[tilespmem:$0x10100] =	vst v63  }
0x19: {  	_ =	swait.ge [sflag:s7], $0x80  }
0x1a: {  	[sflag:s7] =	ssyncset.done $0x0  }
0x1b: {  	[sflag:s7] =	ssyncadd.s32 $0xFFFFFF80  }
0x1c: {  	v3 =	vld [tilespmem:$0x0];
	_ =	sdelay $0x4  }
0x1d: {  	v4 =	vshll.u32 v3, $0x1  }
0x1e: {  	v3 =	vand.u32 $0x7, v3;
	v4 =	vand.u32 $0xFFFFFFF0, v4  }
0x1f: {  	v3 =	vor.u32 v3, v4  }
0x20: {  	v4 =	vperm.xlane v3, v0;
	_ =	sdelay $0x1  }
0x21: {  	v3 =	vperm.xlane v3, v2;
	v4 =	vadd.s32 v1, v4;
	_ =	sdelay $0x1  }
0x22: {  	v3 =	vadd.s32 v1, v3;
	_ =	sdelay $0x2  }
0x23: {  	[tilespmem:s22], [sflag:$0x1] =	stream.indirect_vreg.gather [hbm4b:s1+s3], $0x80, v4, vm0, $0xb8;
	[tilespmem:$0x10100] =	vst v63  }
0x24: {  	s0 =	simm.s32 $0x900  }
0x25: {  	[tilespmem:s0], [sflag:$0x1] =	stream.indirect_vreg.gather [hbm4b:s1+s3], $0x80, v3, vm0, $0xb8;
	[tilespmem:$0x10100] =	vst v63  }
0x26: {  	v3 =	vld [tilespmem:$0x10];
	_ =	sdelay $0x4  }
0x27: {  	v57 =	vshll.u32 v3, $0x1  }
0x28: {  	v3 =	vand.u32 $0x7, v3;
	v4 =	vand.u32 $0xFFFFFFF0, v57  }
0x29: {  	v3 =	vor.u32 v3, v4  }
0x2a: {  	v4 =	vperm.xlane v3, v0;
	_ =	sdelay $0x1  }
0x2b: {  	v3 =	vperm.xlane v3, v2;
	v4 =	vadd.s32 v1, v4;
	_ =	sdelay $0x1  }
0x2c: {  	v3 =	vadd.s32 v1, v3;
	_ =	sdelay $0x1  }
0x2d: {  	s19 =	simm.s32 $0x1100  }
0x2e: {  	[tilespmem:s19], [sflag:$0x1] =	stream.indirect_vreg.gather [hbm4b:s1+s3], $0x80, v4, vm0, $0xb8;
	[tilespmem:$0x10100] =	vst v63  }
0x2f: {  	s20 =	simm.s32 $0x1900  }
0x30: {  	[tilespmem:s20], [sflag:$0x1] =	stream.indirect_vreg.gather [hbm4b:s1+s3], $0x80, v3, vm0, $0xb8;
	[tilespmem:$0x10100] =	vst v63  }
0x31: {  	v3 =	vld [tilespmem:$0x20];
	_ =	sdelay $0x4  }
0x32: {  	v58 =	vshll.u32 v3, $0x1  }
0x33: {  	v3 =	vand.u32 $0x7, v3;
	v4 =	vand.u32 $0xFFFFFFF0, v58  }
0x34: {  	v3 =	vor.u32 v3, v4  }
0x35: {  	v4 =	vperm.xlane v3, v0;
	_ =	sdelay $0x1  }
0x36: {  	v3 =	vperm.xlane v3, v2;
	v4 =	vadd.s32 v1, v4;
	_ =	sdelay $0x1  }
0x37: {  	v3 =	vadd.s32 v1, v3;
	_ =	sdelay $0x1  }
0x38: {  	s21 =	simm.s32 $0x2100  }
0x39: {  	[tilespmem:s21], [sflag:$0x1] =	stream.indirect_vreg.gather [hbm4b:s1+s3], $0x80, v4, vm0, $0xb8;
	[tilespmem:$0x10100] =	vst v63  }
0x3a: {  	s23 =	simm.s32 $0x2900  }
0x3b: {  	[tilespmem:s23], [sflag:$0x1] =	stream.indirect_vreg.gather [hbm4b:s1+s3], $0x80, v3, vm0, $0xb8;
	[tilespmem:$0x10100] =	vst v63  }
0x3c: {  	v3 =	vld [tilespmem:$0x30];
	_ =	sdelay $0x4  }
0x3d: {  	v59 =	vshll.u32 v3, $0x1  }
0x3e: {  	v3 =	vand.u32 $0x7, v3;
	v4 =	vand.u32 $0xFFFFFFF0, v59  }
0x3f: {  	v3 =	vor.u32 v3, v4  }
0x40: {  	v4 =	vperm.xlane v3, v0;
	_ =	sdelay $0x1  }
0x41: {  	v3 =	vperm.xlane v3, v2;
	v4 =	vadd.s32 v1, v4;
	_ =	sdelay $0x1  }
0x42: {  	v3 =	vadd.s32 v1, v3;
	_ =	sdelay $0x1  }
0x43: {  	s24 =	simm.s32 $0x3100  }
0x44: {  	[tilespmem:s24], [sflag:$0x1] =	stream.indirect_vreg.gather [hbm4b:s1+s3], $0x80, v4, vm0, $0xb8;
	[tilespmem:$0x10100] =	vst v63  }
0x45: {  	s26 =	simm.s32 $0x3900  }
0x46: {  	[tilespmem:s26], [sflag:$0x1] =	stream.indirect_vreg.gather [hbm4b:s1+s3], $0x80, v3, vm0, $0xb8;
	[tilespmem:$0x10100] =	vst v63  }
0x47: {  	v3 =	vld [tilespmem:$0x40];
	_ =	sdelay $0x4  }
0x48: {  	v60 =	vshll.u32 v3, $0x1  }
0x49: {  	v3 =	vand.u32 $0x7, v3;
	v4 =	vand.u32 $0xFFFFFFF0, v60  }
0x4a: {  	v3 =	vor.u32 v3, v4  }
0x4b: {  	v4 =	vperm.xlane v3, v0;
	_ =	sdelay $0x1  }
0x4c: {  	v3 =	vperm.xlane v3, v2;
	v4 =	vadd.s32 v1, v4;
	_ =	sdelay $0x1  }
0x4d: {  	v3 =	vadd.s32 v1, v3;
	_ =	sdelay $0x1  }
0x4e: {  	s28 =	simm.s32 $0x4100  }
0x4f: {  	[tilespmem:s28], [sflag:$0x1] =	stream.indirect_vreg.gather [hbm4b:s1+s3], $0x80, v4, vm0, $0xb8;
	[tilespmem:$0x10100] =	vst v63  }
0x50: {  	s29 =	simm.s32 $0x4900  }
0x51: {  	[tilespmem:s29], [sflag:$0x1] =	stream.indirect_vreg.gather [hbm4b:s1+s3], $0x80, v3, vm0, $0xb8;
	[tilespmem:$0x10100] =	vst v63  }
0x52: {  	v3 =	vld [tilespmem:$0x50];
	_ =	sdelay $0x4  }
0x53: {  	v61 =	vshll.u32 v3, $0x1  }
0x54: {  	v3 =	vand.u32 $0x7, v3;
	v4 =	vand.u32 $0xFFFFFFF0, v61  }
0x55: {  	v3 =	vor.u32 v3, v4  }
0x56: {  	v4 =	vperm.xlane v3, v0;
	_ =	sdelay $0x1  }
0x57: {  	v3 =	vperm.xlane v3, v2;
	v4 =	vadd.s32 v1, v4;
	_ =	sdelay $0x1  }
0x58: {  	v3 =	vadd.s32 v1, v3;
	_ =	sdelay $0x1  }
0x59: {  	s30 =	simm.s32 $0x5100  }
0x5a: {  	[tilespmem:s30], [sflag:$0x1] =	stream.indirect_vreg.gather [hbm4b:s1+s3], $0x80, v4, vm0, $0xb8;
	[tilespmem:$0x10100] =	vst v63  }
0x5b: {  	s31 =	simm.s32 $0x5900  }
0x5c: {  	[tilespmem:s31], [sflag:$0x1] =	stream.indirect_vreg.gather [hbm4b:s1+s3], $0x80, v3, vm0, $0xb8;
	[tilespmem:$0x10100] =	vst v63  }
0x5d: {  	v3 =	vld [tilespmem:$0x60];
	_ =	sdelay $0x4  }
0x5e: {  	v62 =	vshll.u32 v3, $0x1  }
0x5f: {  	v3 =	vand.u32 $0x7, v3;
	v4 =	vand.u32 $0xFFFFFFF0, v62  }
0x60: {  	v3 =	vor.u32 v3, v4  }
0x61: {  	v4 =	vperm.xlane v3, v0;
	_ =	sdelay $0x1  }
0x62: {  	v3 =	vperm.xlane v3, v2;
	v4 =	vadd.s32 v1, v4;
	_ =	sdelay $0x1  }
0x63: {  	v3 =	vadd.s32 v1, v3;
	_ =	sdelay $0x1  }
0x64: {  	s9 =	simm.s32 $0x6100  }
0x65: {  	[tilespmem:s9], [sflag:$0x1] =	stream.indirect_vreg.gather [hbm4b:s1+s3], $0x80, v4, vm0, $0xb8;
	[tilespmem:$0x10100] =	vst v63  }
0x66: {  	s12 =	simm.s32 $0x6900  }
0x67: {  	[tilespmem:s12], [sflag:$0x1] =	stream.indirect_vreg.gather [hbm4b:s1+s3], $0x80, v3, vm0, $0xb8;
	[tilespmem:$0x10100] =	vst v63  }
0x68: {  	v3 =	vld [tilespmem:$0x70];
	_ =	sdelay $0x4  }
0x69: {  	v63 =	vshll.u32 v3, $0x1  }
0x6a: {  	v3 =	vand.u32 $0x7, v3;
	v4 =	vand.u32 $0xFFFFFFF0, v63  }
0x6b: {  	v3 =	vor.u32 v3, v4  }
0x6c: {  	v4 =	vperm.xlane v3, v0;
	_ =	sdelay $0x1  }
0x6d: {  	v3 =	vperm.xlane v3, v2;
	v4 =	vadd.s32 v1, v4;
	_ =	sdelay $0x1  }
0x6e: {  	v3 =	vadd.s32 v1, v3;
	_ =	sdelay $0x1  }
0x6f: {  	s13 =	simm.s32 $0x7100  }
0x70: {  	[tilespmem:s13], [sflag:$0x1] =	stream.indirect_vreg.gather [hbm4b:s1+s3], $0x80, v4, vm0, $0xb8;
	[tilespmem:$0x10100] =	vst v63  }
0x71: {  	s20 =	simm.s32 $0x7900  }
0x72: {  	[tilespmem:s20], [sflag:$0x1] =	stream.indirect_vreg.gather [hbm4b:s1+s3], $0x80, v3, vm0, $0xb8;
	[tilespmem:$0x10100] =	vst v63  }
0x73: {  	s14 =	rddreg [dreg:$0x4];
	s21 =	simm.s32 $0x80  }
0x74: {  	[tilespmem:s21], [sflag:$0x5] =	stream.linear.gather [hbm4b:s14+s3], $0x80, $0x38;
	[tilespmem:$0x10100] =	vst v63  }
0x75: {  	_ =	swait.ge [sflag:s7], $0x80  }
0x76: {  	[sflag:s7] =	ssyncset.done $0x0  }
0x77: {  	[sflag:s7] =	ssyncadd.s32 $0xFFFFFF80  }
0x78: {  	v3 =	vld [tilespmem:$0x80];
	_ =	sdelay $0x4  }
0x79: {  	v8 =	vshll.u32 v3, $0x1  }
0x7a: {  	v3 =	vand.u32 $0x7, v3;
	v4 =	vand.u32 $0xFFFFFFF0, v8  }
0x7b: {  	v3 =	vor.u32 v3, v4  }
0x7c: {  	v4 =	vperm.xlane v3, v0;
	_ =	sdelay $0x1  }
0x7d: {  	v3 =	vperm.xlane v3, v2;
	v4 =	vadd.s32 v1, v4;
	_ =	sdelay $0x1  }
0x7e: {  	v3 =	vadd.s32 v1, v3;
	_ =	sdelay $0x2  }
0x7f: {  	[tilespmem:s25], [sflag:$0x2] =	stream.indirect_vreg.gather [hbm4b:s1+s3], $0x80, v4, vm0, $0xb8;
	[tilespmem:$0x10100] =	vst v63  }
0x80: {  	s23 =	simm.s32 $0x8900  }
0x81: {  	[tilespmem:s23], [sflag:$0x2] =	stream.indirect_vreg.gather [hbm4b:s1+s3], $0x80, v3, vm0, $0xb8;
	[tilespmem:$0x10100] =	vst v63  }
0x82: {  	v3 =	vld [tilespmem:$0x90];
	_ =	sdelay $0x4  }
0x83: {  	v9 =	vshll.u32 v3, $0x1  }
0x84: {  	v3 =	vand.u32 $0x7, v3;
	v4 =	vand.u32 $0xFFFFFFF0, v9  }
0x85: {  	v3 =	vor.u32 v3, v4  }
0x86: {  	v4 =	vperm.xlane v3, v0;
	_ =	sdelay $0x1  }
0x87: {  	v3 =	vperm.xlane v3, v2;
	v4 =	vadd.s32 v1, v4;
	_ =	sdelay $0x1  }
0x88: {  	v3 =	vadd.s32 v1, v3;
	_ =	sdelay $0x1  }
0x89: {  	s24 =	simm.s32 $0x9100  }
0x8a: {  	[tilespmem:s24], [sflag:$0x2] =	stream.indirect_vreg.gather [hbm4b:s1+s3], $0x80, v4, vm0, $0xb8;
	[tilespmem:$0x10100] =	vst v63  }
0x8b: {  	s26 =	simm.s32 $0x9900  }
0x8c: {  	[tilespmem:s26], [sflag:$0x2] =	stream.indirect_vreg.gather [hbm4b:s1+s3], $0x80, v3, vm0, $0xb8;
	[tilespmem:$0x10100] =	vst v63  }
0x8d: {  	v3 =	vld [tilespmem:$0xA0];
	_ =	sdelay $0x4  }
0x8e: {  	v10 =	vshll.u32 v3, $0x1  }
0x8f: {  	v3 =	vand.u32 $0x7, v3;
	v4 =	vand.u32 $0xFFFFFFF0, v10  }
0x90: {  	v3 =	vor.u32 v3, v4  }
0x91: {  	v4 =	vperm.xlane v3, v0;
	_ =	sdelay $0x1  }
0x92: {  	v3 =	vperm.xlane v3, v2;
	v4 =	vadd.s32 v1, v4;
	_ =	sdelay $0x1  }
0x93: {  	v3 =	vadd.s32 v1, v3;
	_ =	sdelay $0x1  }
0x94: {  	s28 =	simm.s32 $0xA100  }
0x95: {  	[tilespmem:s28], [sflag:$0x2] =	stream.indirect_vreg.gather [hbm4b:s1+s3], $0x80, v4, vm0, $0xb8;
	[tilespmem:$0x10100] =	vst v63  }
0x96: {  	s29 =	simm.s32 $0xA900  }
0x97: {  	[tilespmem:s29], [sflag:$0x2] =	stream.indirect_vreg.gather [hbm4b:s1+s3], $0x80, v3, vm0, $0xb8;
	[tilespmem:$0x10100] =	vst v63  }
0x98: {  	v3 =	vld [tilespmem:$0xB0];
	_ =	sdelay $0x4  }
0x99: {  	v11 =	vshll.u32 v3, $0x1  }
0x9a: {  	v3 =	vand.u32 $0x7, v3;
	v4 =	vand.u32 $0xFFFFFFF0, v11  }
0x9b: {  	v3 =	vor.u32 v3, v4  }
0x9c: {  	v4 =	vperm.xlane v3, v0;
	_ =	sdelay $0x1  }
0x9d: {  	v3 =	vperm.xlane v3, v2;
	v4 =	vadd.s32 v1, v4;
	_ =	sdelay $0x1  }
0x9e: {  	v3 =	vadd.s32 v1, v3;
	_ =	sdelay $0x1  }
0x9f: {  	s30 =	simm.s32 $0xB100  }
0xa0: {  	[tilespmem:s30], [sflag:$0x2] =	stream.indirect_vreg.gather [hbm4b:s1+s3], $0x80, v4, vm0, $0xb8;
	[tilespmem:$0x10100] =	vst v63  }
0xa1: {  	s31 =	simm.s32 $0xB900  }
0xa2: {  	[tilespmem:s31], [sflag:$0x2] =	stream.indirect_vreg.gather [hbm4b:s1+s3], $0x80, v3, vm0, $0xb8;
	[tilespmem:$0x10100] =	vst v63  }
0xa3: {  	v3 =	vld [tilespmem:$0xC0];
	_ =	sdelay $0x4  }
0xa4: {  	v12 =	vshll.u32 v3, $0x1  }
0xa5: {  	v3 =	vand.u32 $0x7, v3;
	v4 =	vand.u32 $0xFFFFFFF0, v12  }
0xa6: {  	v3 =	vor.u32 v3, v4  }
0xa7: {  	v4 =	vperm.xlane v3, v0;
	_ =	sdelay $0x1  }
0xa8: {  	v3 =	vperm.xlane v3, v2;
	v4 =	vadd.s32 v1, v4;
	_ =	sdelay $0x1  }
0xa9: {  	v3 =	vadd.s32 v1, v3;
	_ =	sdelay $0x1  }
0xaa: {  	s0 =	simm.s32 $0xC100  }
0xab: {  	[tilespmem:s0], [sflag:$0x2] =	stream.indirect_vreg.gather [hbm4b:s1+s3], $0x80, v4, vm0, $0xb8;
	[tilespmem:$0x10100] =	vst v63  }
0xac: {  	s9 =	simm.s32 $0xC900  }
0xad: {  	[tilespmem:s9], [sflag:$0x2] =	stream.indirect_vreg.gather [hbm4b:s1+s3], $0x80, v3, vm0, $0xb8;
	[tilespmem:$0x10100] =	vst v63  }
0xae: {  	v3 =	vld [tilespmem:$0xD0];
	_ =	sdelay $0x4  }
0xaf: {  	v13 =	vshll.u32 v3, $0x1  }
0xb0: {  	v3 =	vand.u32 $0x7, v3;
	v4 =	vand.u32 $0xFFFFFFF0, v13  }
0xb1: {  	v3 =	vor.u32 v3, v4  }
0xb2: {  	v4 =	vperm.xlane v3, v0;
	_ =	sdelay $0x1  }
0xb3: {  	v3 =	vperm.xlane v3, v2;
	v4 =	vadd.s32 v1, v4;
	_ =	sdelay $0x1  }
0xb4: {  	v3 =	vadd.s32 v1, v3;
	_ =	sdelay $0x1  }
0xb5: {  	s12 =	simm.s32 $0xD100  }
0xb6: {  	[tilespmem:s12], [sflag:$0x2] =	stream.indirect_vreg.gather [hbm4b:s1+s3], $0x80, v4, vm0, $0xb8;
	[tilespmem:$0x10100] =	vst v63  }
0xb7: {  	s13 =	simm.s32 $0xD900  }
0xb8: {  	[tilespmem:s13], [sflag:$0x2] =	stream.indirect_vreg.gather [hbm4b:s1+s3], $0x80, v3, vm0, $0xb8;
	[tilespmem:$0x10100] =	vst v63  }
0xb9: {  	v3 =	vld [tilespmem:$0xE0];
	_ =	sdelay $0x4  }
0xba: {  	v14 =	vshll.u32 v3, $0x1  }
0xbb: {  	v3 =	vand.u32 $0x7, v3;
	v4 =	vand.u32 $0xFFFFFFF0, v14  }
0xbc: {  	v3 =	vor.u32 v3, v4  }
0xbd: {  	v4 =	vperm.xlane v3, v0;
	_ =	sdelay $0x1  }
0xbe: {  	v3 =	vperm.xlane v3, v2;
	v4 =	vadd.s32 v1, v4;
	_ =	sdelay $0x1  }
0xbf: {  	v3 =	vadd.s32 v1, v3;
	_ =	sdelay $0x1  }
0xc0: {  	s14 =	simm.s32 $0xE100  }
0xc1: {  	[tilespmem:s14], [sflag:$0x2] =	stream.indirect_vreg.gather [hbm4b:s1+s3], $0x80, v4, vm0, $0xb8;
	[tilespmem:$0x10100] =	vst v63  }
0xc2: {  	s21 =	simm.s32 $0xE900  }
0xc3: {  	[tilespmem:s21], [sflag:$0x2] =	stream.indirect_vreg.gather [hbm4b:s1+s3], $0x80, v3, vm0, $0xb8;
	[tilespmem:$0x10100] =	vst v63  }
0xc4: {  	v3 =	vld [tilespmem:$0xF0];
	_ =	sdelay $0x4  }
0xc5: {  	v15 =	vshll.u32 v3, $0x1  }
0xc6: {  	v3 =	vand.u32 $0x7, v3;
	v4 =	vand.u32 $0xFFFFFFF0, v15  }
0xc7: {  	v3 =	vor.u32 v3, v4  }
0xc8: {  	v4 =	vperm.xlane v3, v0;
	_ =	sdelay $0x1  }
0xc9: {  	v3 =	vperm.xlane v3, v2;
	v4 =	vadd.s32 v1, v4;
	_ =	sdelay $0x1  }
0xca: {  	v3 =	vadd.s32 v1, v3;
	_ =	sdelay $0x1  }
0xcb: {  	s23 =	simm.s32 $0xF100  }
0xcc: {  	[tilespmem:s23], [sflag:$0x2] =	stream.indirect_vreg.gather [hbm4b:s1+s3], $0x80, v4, vm0, $0xb8;
	[tilespmem:$0x10100] =	vst v63  }
0xcd: {  	s29 =	simm.s32 $0xF900  }
0xce: {  	[tilespmem:s29], [sflag:$0x2] =	stream.indirect_vreg.gather [hbm4b:s1+s3], $0x80, v3, vm0, $0xb8;
	[tilespmem:$0x10100] =	vst v63  }
0xcf: {  	_ =	swait.ge [sflag:s15], $0x8000  }
0xd0: {  	[sflag:s15] =	ssyncset.done $0x0  }
0xd1: {  	s31 =	rddreg [dreg:$0x13];
	[sflag:s15] =	ssyncadd.s32 $0xFFFF8000  }
0xd2: {  	[hbm4b:s31+s3] =	stream.linear.scatter [tilespmem:s22], [sflag:$0x3], $0x8000, $0x38;
	[tilespmem:$0x10100] =	vst v63  }
0xd3: {  	_ =	swait.ge [sflag:s16], $0x8000  }
0xd4: {  	[sflag:s16] =	ssyncset.done $0x0  }
0xd5: {  	s0 =	rddreg [dreg:$0x5];
	[sflag:s16] =	ssyncadd.s32 $0xFFFF8000  }
0xd6: {  	[tilespmem:s3], [sflag:$0x5] =	stream.linear.gather [hbm4b:s0+s3], $0x80, $0x38;
	[tilespmem:$0x10100] =	vst v63  }
0xd7: {  	_ =	swait.ge [sflag:s7], $0x80  }
0xd8: {  	[sflag:s7] =	ssyncset.done $0x0  }
0xd9: {  	[sflag:s7] =	ssyncadd.s32 $0xFFFFFF80  }
0xda: {  	v3 =	vld [tilespmem:$0x0];
	_ =	sdelay $0x4  }
0xdb: {  	v16 =	vshll.u32 v3, $0x1  }
0xdc: {  	v3 =	vand.u32 $0x7, v3;
	v4 =	vand.u32 $0xFFFFFFF0, v16  }
0xdd: {  	v3 =	vor.u32 v3, v4  }
0xde: {  	v4 =	vperm.xlane v3, v0;
	_ =	sdelay $0x1  }
0xdf: {  	v3 =	vperm.xlane v3, v2;
	v4 =	vadd.s32 v1, v4;
	_ =	sdelay $0x1  }
0xe0: {  	v3 =	vadd.s32 v1, v3;
	_ =	sdelay $0x2  }
0xe1: {  	[tilespmem:s22], [sflag:$0x1] =	stream.indirect_vreg.gather [hbm4b:s1+s3], $0x80, v4, vm0, $0xb8;
	[tilespmem:$0x10100] =	vst v63  }
0xe2: {  	s9 =	simm.s32 $0x900  }
0xe3: {  	[tilespmem:s9], [sflag:$0x1] =	stream.indirect_vreg.gather [hbm4b:s1+s3], $0x80, v3, vm0, $0xb8;
	[tilespmem:$0x10100] =	vst v63  }
0xe4: {  	v3 =	vld [tilespmem:$0x10];
	_ =	sdelay $0x4  }
0xe5: {  	v17 =	vshll.u32 v3, $0x1  }
0xe6: {  	v3 =	vand.u32 $0x7, v3;
	v4 =	vand.u32 $0xFFFFFFF0, v17  }
0xe7: {  	v3 =	vor.u32 v3, v4  }
0xe8: {  	v4 =	vperm.xlane v3, v0;
	_ =	sdelay $0x1  }
0xe9: {  	v3 =	vperm.xlane v3, v2;
	v4 =	vadd.s32 v1, v4;
	_ =	sdelay $0x1  }
0xea: {  	v3 =	vadd.s32 v1, v3;
	_ =	sdelay $0x1  }
0xeb: {  	s2 =	simm.s32 $0x1100  }
0xec: {  	[tilespmem:s2], [sflag:$0x1] =	stream.indirect_vreg.gather [hbm4b:s1+s3], $0x80, v4, vm0, $0xb8;
	[tilespmem:$0x10100] =	vst v63  }
0xed: {  	s29 =	simm.s32 $0x1900  }
0xee: {  	[tilespmem:s29], [sflag:$0x1] =	stream.indirect_vreg.gather [hbm4b:s1+s3], $0x80, v3, vm0, $0xb8;
	[tilespmem:$0x10100] =	vst v63  }
0xef: {  	v3 =	vld [tilespmem:$0x20];
	_ =	sdelay $0x4  }
0xf0: {  	v18 =	vshll.u32 v3, $0x1  }
0xf1: {  	v3 =	vand.u32 $0x7, v3;
	v4 =	vand.u32 $0xFFFFFFF0, v18  }
0xf2: {  	v3 =	vor.u32 v3, v4  }
0xf3: {  	v4 =	vperm.xlane v3, v0;
	_ =	sdelay $0x1  }
0xf4: {  	v3 =	vperm.xlane v3, v2;
	v4 =	vadd.s32 v1, v4;
	_ =	sdelay $0x1  }
0xf5: {  	v3 =	vadd.s32 v1, v3;
	_ =	sdelay $0x1  }
0xf6: {  	s4 =	simm.s32 $0x2100  }
0xf7: {  	[tilespmem:s4], [sflag:$0x1] =	stream.indirect_vreg.gather [hbm4b:s1+s3], $0x80, v4, vm0, $0xb8;
	[tilespmem:$0x10100] =	vst v63  }
0xf8: {  	s10 =	simm.s32 $0x2900  }
0xf9: {  	[tilespmem:s10], [sflag:$0x1] =	stream.indirect_vreg.gather [hbm4b:s1+s3], $0x80, v3, vm0, $0xb8;
	[tilespmem:$0x10100] =	vst v63  }
0xfa: {  	v3 =	vld [tilespmem:$0x30];
	_ =	sdelay $0x4  }
0xfb: {  	v19 =	vshll.u32 v3, $0x1  }
0xfc: {  	v3 =	vand.u32 $0x7, v3;
	v4 =	vand.u32 $0xFFFFFFF0, v19  }
0xfd: {  	v3 =	vor.u32 v3, v4  }
0xfe: {  	v4 =	vperm.xlane v3, v0;
	_ =	sdelay $0x1  }
0xff: {  	v3 =	vperm.xlane v3, v2;
	v4 =	vadd.s32 v1, v4;
	_ =	sdelay $0x1  }
0x100: {  	v3 =	vadd.s32 v1, v3;
	_ =	sdelay $0x1  }
0x101: {  	s5 =	simm.s32 $0x3100  }
0x102: {  	[tilespmem:s5], [sflag:$0x1] =	stream.indirect_vreg.gather [hbm4b:s1+s3], $0x80, v4, vm0, $0xb8;
	[tilespmem:$0x10100] =	vst v63  }
0x103: {  	s31 =	simm.s32 $0x3900  }
0x104: {  	[tilespmem:s31], [sflag:$0x1] =	stream.indirect_vreg.gather [hbm4b:s1+s3], $0x80, v3, vm0, $0xb8;
	[tilespmem:$0x10100] =	vst v63  }
0x105: {  	v3 =	vld [tilespmem:$0x40];
	_ =	sdelay $0x4  }
0x106: {  	v20 =	vshll.u32 v3, $0x1  }
0x107: {  	v3 =	vand.u32 $0x7, v3;
	v4 =	vand.u32 $0xFFFFFFF0, v20  }
0x108: {  	v3 =	vor.u32 v3, v4  }
0x109: {  	v4 =	vperm.xlane v3, v0;
	_ =	sdelay $0x1  }
0x10a: {  	v3 =	vperm.xlane v3, v2;
	v4 =	vadd.s32 v1, v4;
	_ =	sdelay $0x1  }
0x10b: {  	v3 =	vadd.s32 v1, v3;
	_ =	sdelay $0x1  }
0x10c: {  	s8 =	simm.s32 $0x4100  }
0x10d: {  	[tilespmem:s8], [sflag:$0x1] =	stream.indirect_vreg.gather [hbm4b:s1+s3], $0x80, v4, vm0, $0xb8;
	[tilespmem:$0x10100] =	vst v63  }
0x10e: {  	s11 =	simm.s32 $0x4900  }
0x10f: {  	[tilespmem:s11], [sflag:$0x1] =	stream.indirect_vreg.gather [hbm4b:s1+s3], $0x80, v3, vm0, $0xb8;
	[tilespmem:$0x10100] =	vst v63  }
0x110: {  	v3 =	vld [tilespmem:$0x50];
	_ =	sdelay $0x4  }
0x111: {  	v21 =	vshll.u32 v3, $0x1  }
0x112: {  	v3 =	vand.u32 $0x7, v3;
	v4 =	vand.u32 $0xFFFFFFF0, v21  }
0x113: {  	v3 =	vor.u32 v3, v4  }
0x114: {  	v4 =	vperm.xlane v3, v0;
	_ =	sdelay $0x1  }
0x115: {  	v3 =	vperm.xlane v3, v2;
	v4 =	vadd.s32 v1, v4;
	_ =	sdelay $0x1  }
0x116: {  	v3 =	vadd.s32 v1, v3;
	_ =	sdelay $0x1  }
0x117: {  	s10 =	simm.s32 $0x5100  }
0x118: {  	[tilespmem:s10], [sflag:$0x1] =	stream.indirect_vreg.gather [hbm4b:s1+s3], $0x80, v4, vm0, $0xb8;
	[tilespmem:$0x10100] =	vst v63  }
0x119: {  	s11 =	simm.s32 $0x5900  }
0x11a: {  	[tilespmem:s11], [sflag:$0x1] =	stream.indirect_vreg.gather [hbm4b:s1+s3], $0x80, v3, vm0, $0xb8;
	[tilespmem:$0x10100] =	vst v63  }
0x11b: {  	v3 =	vld [tilespmem:$0x60];
	_ =	sdelay $0x4  }
0x11c: {  	v22 =	vshll.u32 v3, $0x1  }
0x11d: {  	v3 =	vand.u32 $0x7, v3;
	v4 =	vand.u32 $0xFFFFFFF0, v22  }
0x11e: {  	v3 =	vor.u32 v3, v4  }
0x11f: {  	v4 =	vperm.xlane v3, v0;
	_ =	sdelay $0x1  }
0x120: {  	v3 =	vperm.xlane v3, v2;
	v4 =	vadd.s32 v1, v4;
	_ =	sdelay $0x1  }
0x121: {  	v3 =	vadd.s32 v1, v3;
	_ =	sdelay $0x1  }
0x122: {  	s8 =	simm.s32 $0x6100  }
0x123: {  	[tilespmem:s8], [sflag:$0x1] =	stream.indirect_vreg.gather [hbm4b:s1+s3], $0x80, v4, vm0, $0xb8;
	[tilespmem:$0x10100] =	vst v63  }
0x124: {  	s12 =	simm.s32 $0x6900  }
0x125: {  	[tilespmem:s12], [sflag:$0x1] =	stream.indirect_vreg.gather [hbm4b:s1+s3], $0x80, v3, vm0, $0xb8;
	[tilespmem:$0x10100] =	vst v63  }
0x126: {  	v3 =	vld [tilespmem:$0x70];
	_ =	sdelay $0x4  }
0x127: {  	v23 =	vshll.u32 v3, $0x1  }
0x128: {  	v3 =	vand.u32 $0x7, v3;
	v4 =	vand.u32 $0xFFFFFFF0, v23  }
0x129: {  	v3 =	vor.u32 v3, v4  }
0x12a: {  	v4 =	vperm.xlane v3, v0;
	_ =	sdelay $0x1  }
0x12b: {  	v3 =	vperm.xlane v3, v2;
	v4 =	vadd.s32 v1, v4;
	_ =	sdelay $0x1  }
0x12c: {  	v3 =	vadd.s32 v1, v3;
	_ =	sdelay $0x1  }
0x12d: {  	s13 =	simm.s32 $0x7100  }
0x12e: {  	[tilespmem:s13], [sflag:$0x1] =	stream.indirect_vreg.gather [hbm4b:s1+s3], $0x80, v4, vm0, $0xb8;
	[tilespmem:$0x10100] =	vst v63  }
0x12f: {  	s14 =	simm.s32 $0x7900  }
0x130: {  	[tilespmem:s14], [sflag:$0x1] =	stream.indirect_vreg.gather [hbm4b:s1+s3], $0x80, v3, vm0, $0xb8;
	[tilespmem:$0x10100] =	vst v63  }
0x131: {  	_ =	swait.ge [sflag:s17], $0x8000  }
0x132: {  	[sflag:s17] =	ssyncset.done $0x0  }
0x133: {  	s4 =	rddreg [dreg:$0x6];
	[sflag:s17] =	ssyncadd.s32 $0xFFFF8000  }
0x134: {  	[hbm4b:s4+s3] =	stream.linear.scatter [tilespmem:s25], [sflag:$0x4], $0x8000, $0x38;
	[tilespmem:$0x10100] =	vst v63  }
0x135: {  	_ =	swait.ge [sflag:s18], $0x8000  }
0x136: {  	[sflag:s18] =	ssyncset.done $0x0  }
0x137: {  	s2 =	simm.s32 $0x80;
	s5 =	rddreg [dreg:$0x7];
	[sflag:s18] =	ssyncadd.s32 $0xFFFF8000  }
0x138: {  	[tilespmem:s2], [sflag:$0x5] =	stream.linear.gather [hbm4b:s5+s3], $0x80, $0x38;
	[tilespmem:$0x10100] =	vst v63  }
0x139: {  	_ =	swait.ge [sflag:s7], $0x80  }
0x13a: {  	[sflag:s7] =	ssyncset.done $0x0  }
0x13b: {  	[sflag:s7] =	ssyncadd.s32 $0xFFFFFF80  }
0x13c: {  	v3 =	vld [tilespmem:$0x80];
	_ =	sdelay $0x4  }
0x13d: {  	v24 =	vshll.u32 v3, $0x1  }
0x13e: {  	v3 =	vand.u32 $0x7, v3;
	v4 =	vand.u32 $0xFFFFFFF0, v24  }
0x13f: {  	v3 =	vor.u32 v3, v4  }
0x140: {  	v4 =	vperm.xlane v3, v0;
	_ =	sdelay $0x1  }
0x141: {  	v3 =	vperm.xlane v3, v2;
	v4 =	vadd.s32 v1, v4;
	_ =	sdelay $0x1  }
0x142: {  	v3 =	vadd.s32 v1, v3;
	_ =	sdelay $0x2  }
0x143: {  	[tilespmem:s25], [sflag:$0x2] =	stream.indirect_vreg.gather [hbm4b:s1+s3], $0x80, v4, vm0, $0xb8;
	[tilespmem:$0x10100] =	vst v63  }
0x144: {  	s4 =	simm.s32 $0x8900  }
0x145: {  	[tilespmem:s4], [sflag:$0x2] =	stream.indirect_vreg.gather [hbm4b:s1+s3], $0x80, v3, vm0, $0xb8;
	[tilespmem:$0x10100] =	vst v63  }
0x146: {  	v3 =	vld [tilespmem:$0x90];
	_ =	sdelay $0x4  }
0x147: {  	v25 =	vshll.u32 v3, $0x1  }
0x148: {  	v3 =	vand.u32 $0x7, v3;
	v4 =	vand.u32 $0xFFFFFFF0, v25  }
0x149: {  	v3 =	vor.u32 v3, v4  }
0x14a: {  	v4 =	vperm.xlane v3, v0;
	_ =	sdelay $0x1  }
0x14b: {  	v3 =	vperm.xlane v3, v2;
	v4 =	vadd.s32 v1, v4;
	_ =	sdelay $0x1  }
0x14c: {  	v3 =	vadd.s32 v1, v3;
	_ =	sdelay $0x1  }
0x14d: {  	s0 =	simm.s32 $0x9100  }
0x14e: {  	[tilespmem:s0], [sflag:$0x2] =	stream.indirect_vreg.gather [hbm4b:s1+s3], $0x80, v4, vm0, $0xb8;
	[tilespmem:$0x10100] =	vst v63  }
0x14f: {  	s5 =	simm.s32 $0x9900  }
0x150: {  	[tilespmem:s5], [sflag:$0x2] =	stream.indirect_vreg.gather [hbm4b:s1+s3], $0x80, v3, vm0, $0xb8;
	[tilespmem:$0x10100] =	vst v63  }
0x151: {  	v3 =	vld [tilespmem:$0xA0];
	_ =	sdelay $0x4  }
0x152: {  	v26 =	vshll.u32 v3, $0x1  }
0x153: {  	v3 =	vand.u32 $0x7, v3;
	v4 =	vand.u32 $0xFFFFFFF0, v26  }
0x154: {  	v3 =	vor.u32 v3, v4  }
0x155: {  	v4 =	vperm.xlane v3, v0;
	_ =	sdelay $0x1  }
0x156: {  	v3 =	vperm.xlane v3, v2;
	v4 =	vadd.s32 v1, v4;
	_ =	sdelay $0x1  }
0x157: {  	v3 =	vadd.s32 v1, v3;
	_ =	sdelay $0x1  }
0x158: {  	s19 =	simm.s32 $0xA100  }
0x159: {  	[tilespmem:s19], [sflag:$0x2] =	stream.indirect_vreg.gather [hbm4b:s1+s3], $0x80, v4, vm0, $0xb8;
	[tilespmem:$0x10100] =	vst v63  }
0x15a: {  	s24 =	simm.s32 $0xA900  }
0x15b: {  	[tilespmem:s24], [sflag:$0x2] =	stream.indirect_vreg.gather [hbm4b:s1+s3], $0x80, v3, vm0, $0xb8;
	[tilespmem:$0x10100] =	vst v63  }
0x15c: {  	v3 =	vld [tilespmem:$0xB0];
	_ =	sdelay $0x4  }
0x15d: {  	v27 =	vshll.u32 v3, $0x1  }
0x15e: {  	v3 =	vand.u32 $0x7, v3;
	v4 =	vand.u32 $0xFFFFFFF0, v27  }
0x15f: {  	v3 =	vor.u32 v3, v4  }
0x160: {  	v4 =	vperm.xlane v3, v0;
	_ =	sdelay $0x1  }
0x161: {  	v3 =	vperm.xlane v3, v2;
	v4 =	vadd.s32 v1, v4;
	_ =	sdelay $0x1  }
0x162: {  	v3 =	vadd.s32 v1, v3;
	_ =	sdelay $0x1  }
0x163: {  	s30 =	simm.s32 $0xB100  }
0x164: {  	[tilespmem:s30], [sflag:$0x2] =	stream.indirect_vreg.gather [hbm4b:s1+s3], $0x80, v4, vm0, $0xb8;
	[tilespmem:$0x10100] =	vst v63  }
0x165: {  	s26 =	simm.s32 $0xB900  }
0x166: {  	[tilespmem:s26], [sflag:$0x2] =	stream.indirect_vreg.gather [hbm4b:s1+s3], $0x80, v3, vm0, $0xb8;
	[tilespmem:$0x10100] =	vst v63  }
0x167: {  	v3 =	vld [tilespmem:$0xC0];
	_ =	sdelay $0x4  }
0x168: {  	v28 =	vshll.u32 v3, $0x1  }
0x169: {  	v3 =	vand.u32 $0x7, v3;
	v4 =	vand.u32 $0xFFFFFFF0, v28  }
0x16a: {  	v3 =	vor.u32 v3, v4  }
0x16b: {  	v4 =	vperm.xlane v3, v0;
	_ =	sdelay $0x1  }
0x16c: {  	v3 =	vperm.xlane v3, v2;
	v4 =	vadd.s32 v1, v4;
	_ =	sdelay $0x1  }
0x16d: {  	v3 =	vadd.s32 v1, v3;
	_ =	sdelay $0x1  }
0x16e: {  	s26 =	simm.s32 $0xC100  }
0x16f: {  	[tilespmem:s26], [sflag:$0x2] =	stream.indirect_vreg.gather [hbm4b:s1+s3], $0x80, v4, vm0, $0xb8;
	[tilespmem:$0x10100] =	vst v63  }
0x170: {  	s28 =	simm.s32 $0xC900  }
0x171: {  	[tilespmem:s28], [sflag:$0x2] =	stream.indirect_vreg.gather [hbm4b:s1+s3], $0x80, v3, vm0, $0xb8;
	[tilespmem:$0x10100] =	vst v63  }
0x172: {  	v3 =	vld [tilespmem:$0xD0];
	_ =	sdelay $0x4  }
0x173: {  	v29 =	vshll.u32 v3, $0x1  }
0x174: {  	v3 =	vand.u32 $0x7, v3;
	v4 =	vand.u32 $0xFFFFFFF0, v29  }
0x175: {  	v3 =	vor.u32 v3, v4  }
0x176: {  	v4 =	vperm.xlane v3, v0;
	_ =	sdelay $0x1  }
0x177: {  	v3 =	vperm.xlane v3, v2;
	v4 =	vadd.s32 v1, v4;
	_ =	sdelay $0x1  }
0x178: {  	v3 =	vadd.s32 v1, v3;
	_ =	sdelay $0x1  }
0x179: {  	s28 =	simm.s32 $0xD100  }
0x17a: {  	[tilespmem:s28], [sflag:$0x2] =	stream.indirect_vreg.gather [hbm4b:s1+s3], $0x80, v4, vm0, $0xb8;
	[tilespmem:$0x10100] =	vst v63  }
0x17b: {  	s20 =	simm.s32 $0xD900  }
0x17c: {  	[tilespmem:s20], [sflag:$0x2] =	stream.indirect_vreg.gather [hbm4b:s1+s3], $0x80, v3, vm0, $0xb8;
	[tilespmem:$0x10100] =	vst v63  }
0x17d: {  	v3 =	vld [tilespmem:$0xE0];
	_ =	sdelay $0x4  }
0x17e: {  	v30 =	vshll.u32 v3, $0x1  }
0x17f: {  	v3 =	vand.u32 $0x7, v3;
	v4 =	vand.u32 $0xFFFFFFF0, v30  }
0x180: {  	v3 =	vor.u32 v3, v4  }
0x181: {  	v4 =	vperm.xlane v3, v0;
	_ =	sdelay $0x1  }
0x182: {  	v3 =	vperm.xlane v3, v2;
	v4 =	vadd.s32 v1, v4;
	_ =	sdelay $0x1  }
0x183: {  	v3 =	vadd.s32 v1, v3;
	_ =	sdelay $0x1  }
0x184: {  	s20 =	simm.s32 $0xE100  }
0x185: {  	[tilespmem:s20], [sflag:$0x2] =	stream.indirect_vreg.gather [hbm4b:s1+s3], $0x80, v4, vm0, $0xb8;
	[tilespmem:$0x10100] =	vst v63  }
0x186: {  	s21 =	simm.s32 $0xE900  }
0x187: {  	[tilespmem:s21], [sflag:$0x2] =	stream.indirect_vreg.gather [hbm4b:s1+s3], $0x80, v3, vm0, $0xb8;
	[tilespmem:$0x10100] =	vst v63  }
0x188: {  	v3 =	vld [tilespmem:$0xF0];
	_ =	sdelay $0x4  }
0x189: {  	v31 =	vshll.u32 v3, $0x1  }
0x18a: {  	v3 =	vand.u32 $0x7, v3;
	v4 =	vand.u32 $0xFFFFFFF0, v31  }
0x18b: {  	v3 =	vor.u32 v3, v4  }
0x18c: {  	v4 =	vperm.xlane v3, v0;
	_ =	sdelay $0x1  }
0x18d: {  	v3 =	vperm.xlane v3, v2;
	v4 =	vadd.s32 v1, v4;
	_ =	sdelay $0x1  }
0x18e: {  	v3 =	vadd.s32 v1, v3;
	_ =	sdelay $0x1  }
0x18f: {  	s21 =	simm.s32 $0xF100  }
0x190: {  	[tilespmem:s21], [sflag:$0x2] =	stream.indirect_vreg.gather [hbm4b:s1+s3], $0x80, v4, vm0, $0xb8;
	[tilespmem:$0x10100] =	vst v63  }
0x191: {  	s23 =	simm.s32 $0xF900  }
0x192: {  	[tilespmem:s23], [sflag:$0x2] =	stream.indirect_vreg.gather [hbm4b:s1+s3], $0x80, v3, vm0, $0xb8;
	[tilespmem:$0x10100] =	vst v63  }
0x193: {  	_ =	swait.ge [sflag:s15], $0x8000  }
0x194: {  	[sflag:s15] =	ssyncset.done $0x0  }
0x195: {  	s23 =	rddreg [dreg:$0x8];
	[sflag:s15] =	ssyncadd.s32 $0xFFFF8000  }
0x196: {  	[hbm4b:s23+s3] =	stream.linear.scatter [tilespmem:s22], [sflag:$0x3], $0x8000, $0x38;
	[tilespmem:$0x10100] =	vst v63  }
0x197: {  	_ =	swait.ge [sflag:s16], $0x8000  }
0x198: {  	[sflag:s16] =	ssyncset.done $0x0  }
0x199: {  	s26 =	rddreg [dreg:$0x9];
	[sflag:s16] =	ssyncadd.s32 $0xFFFF8000  }
0x19a: {  	[tilespmem:s3], [sflag:$0x5] =	stream.linear.gather [hbm4b:s26+s3], $0x80, $0x38;
	[tilespmem:$0x10100] =	vst v63  }
0x19b: {  	_ =	swait.ge [sflag:s7], $0x80  }
0x19c: {  	[sflag:s7] =	ssyncset.done $0x0  }
0x19d: {  	[sflag:s7] =	ssyncadd.s32 $0xFFFFFF80  }
0x19e: {  	v3 =	vld [tilespmem:$0x0];
	_ =	sdelay $0x4  }
0x19f: {  	v32 =	vshll.u32 v3, $0x1  }
0x1a0: {  	v3 =	vand.u32 $0x7, v3;
	v4 =	vand.u32 $0xFFFFFFF0, v32  }
0x1a1: {  	v3 =	vor.u32 v3, v4  }
0x1a2: {  	v4 =	vperm.xlane v3, v0;
	_ =	sdelay $0x1  }
0x1a3: {  	v3 =	vperm.xlane v3, v2;
	v4 =	vadd.s32 v1, v4;
	_ =	sdelay $0x1  }
0x1a4: {  	v3 =	vadd.s32 v1, v3;
	_ =	sdelay $0x2  }
0x1a5: {  	[tilespmem:s22], [sflag:$0x1] =	stream.indirect_vreg.gather [hbm4b:s1+s3], $0x80, v4, vm0, $0xb8;
	[tilespmem:$0x10100] =	vst v63  }
0x1a6: {  	_ = 	snop  }
0x1a7: {  	[tilespmem:s9], [sflag:$0x1] =	stream.indirect_vreg.gather [hbm4b:s1+s3], $0x80, v3, vm0, $0xb8;
	[tilespmem:$0x10100] =	vst v63  }
0x1a8: {  	v3 =	vld [tilespmem:$0x10];
	_ =	sdelay $0x4  }
0x1a9: {  	v33 =	vshll.u32 v3, $0x1  }
0x1aa: {  	v3 =	vand.u32 $0x7, v3;
	v4 =	vand.u32 $0xFFFFFFF0, v33  }
0x1ab: {  	v3 =	vor.u32 v3, v4  }
0x1ac: {  	v4 =	vperm.xlane v3, v0;
	_ =	sdelay $0x1  }
0x1ad: {  	v3 =	vperm.xlane v3, v2;
	v4 =	vadd.s32 v1, v4;
	_ =	sdelay $0x1  }
0x1ae: {  	v3 =	vadd.s32 v1, v3;
	_ =	sdelay $0x1  }
0x1af: {  	s28 =	simm.s32 $0x1100  }
0x1b0: {  	[tilespmem:s28], [sflag:$0x1] =	stream.indirect_vreg.gather [hbm4b:s1+s3], $0x80, v4, vm0, $0xb8;
	[tilespmem:$0x10100] =	vst v63  }
0x1b1: {  	_ = 	snop  }
0x1b2: {  	[tilespmem:s29], [sflag:$0x1] =	stream.indirect_vreg.gather [hbm4b:s1+s3], $0x80, v3, vm0, $0xb8;
	[tilespmem:$0x10100] =	vst v63  }
0x1b3: {  	v3 =	vld [tilespmem:$0x20];
	_ =	sdelay $0x4  }
0x1b4: {  	v34 =	vshll.u32 v3, $0x1  }
0x1b5: {  	v3 =	vand.u32 $0x7, v3;
	v4 =	vand.u32 $0xFFFFFFF0, v34  }
0x1b6: {  	v3 =	vor.u32 v3, v4  }
0x1b7: {  	v4 =	vperm.xlane v3, v0;
	_ =	sdelay $0x1  }
0x1b8: {  	v3 =	vperm.xlane v3, v2;
	v4 =	vadd.s32 v1, v4;
	_ =	sdelay $0x1  }
0x1b9: {  	v3 =	vadd.s32 v1, v3;
	_ =	sdelay $0x1  }
0x1ba: {  	s23 =	simm.s32 $0x2100  }
0x1bb: {  	[tilespmem:s23], [sflag:$0x1] =	stream.indirect_vreg.gather [hbm4b:s1+s3], $0x80, v4, vm0, $0xb8;
	[tilespmem:$0x10100] =	vst v63  }
0x1bc: {  	s26 =	simm.s32 $0x2900  }
0x1bd: {  	[tilespmem:s26], [sflag:$0x1] =	stream.indirect_vreg.gather [hbm4b:s1+s3], $0x80, v3, vm0, $0xb8;
	[tilespmem:$0x10100] =	vst v63  }
0x1be: {  	v3 =	vld [tilespmem:$0x30];
	_ =	sdelay $0x4  }
0x1bf: {  	v35 =	vshll.u32 v3, $0x1  }
0x1c0: {  	v3 =	vand.u32 $0x7, v3;
	v4 =	vand.u32 $0xFFFFFFF0, v35  }
0x1c1: {  	v3 =	vor.u32 v3, v4  }
0x1c2: {  	v4 =	vperm.xlane v3, v0;
	_ =	sdelay $0x1  }
0x1c3: {  	v3 =	vperm.xlane v3, v2;
	v4 =	vadd.s32 v1, v4;
	_ =	sdelay $0x1  }
0x1c4: {  	v3 =	vadd.s32 v1, v3;
	_ =	sdelay $0x1  }
0x1c5: {  	s29 =	simm.s32 $0x3100  }
0x1c6: {  	[tilespmem:s29], [sflag:$0x1] =	stream.indirect_vreg.gather [hbm4b:s1+s3], $0x80, v4, vm0, $0xb8;
	[tilespmem:$0x10100] =	vst v63  }
0x1c7: {  	_ = 	snop  }
0x1c8: {  	[tilespmem:s31], [sflag:$0x1] =	stream.indirect_vreg.gather [hbm4b:s1+s3], $0x80, v3, vm0, $0xb8;
	[tilespmem:$0x10100] =	vst v63  }
0x1c9: {  	v3 =	vld [tilespmem:$0x40];
	_ =	sdelay $0x4  }
0x1ca: {  	v36 =	vshll.u32 v3, $0x1  }
0x1cb: {  	v3 =	vand.u32 $0x7, v3;
	v4 =	vand.u32 $0xFFFFFFF0, v36  }
0x1cc: {  	v3 =	vor.u32 v3, v4  }
0x1cd: {  	v4 =	vperm.xlane v3, v0;
	_ =	sdelay $0x1  }
0x1ce: {  	v3 =	vperm.xlane v3, v2;
	v4 =	vadd.s32 v1, v4;
	_ =	sdelay $0x1  }
0x1cf: {  	v3 =	vadd.s32 v1, v3;
	_ =	sdelay $0x1  }
0x1d0: {  	s23 =	simm.s32 $0x4100  }
0x1d1: {  	[tilespmem:s23], [sflag:$0x1] =	stream.indirect_vreg.gather [hbm4b:s1+s3], $0x80, v4, vm0, $0xb8;
	[tilespmem:$0x10100] =	vst v63  }
0x1d2: {  	s29 =	simm.s32 $0x4900  }
0x1d3: {  	[tilespmem:s29], [sflag:$0x1] =	stream.indirect_vreg.gather [hbm4b:s1+s3], $0x80, v3, vm0, $0xb8;
	[tilespmem:$0x10100] =	vst v63  }
0x1d4: {  	v3 =	vld [tilespmem:$0x50];
	_ =	sdelay $0x4  }
0x1d5: {  	v37 =	vshll.u32 v3, $0x1  }
0x1d6: {  	v3 =	vand.u32 $0x7, v3;
	v4 =	vand.u32 $0xFFFFFFF0, v37  }
0x1d7: {  	v3 =	vor.u32 v3, v4  }
0x1d8: {  	v4 =	vperm.xlane v3, v0;
	_ =	sdelay $0x1  }
0x1d9: {  	v3 =	vperm.xlane v3, v2;
	v4 =	vadd.s32 v1, v4;
	_ =	sdelay $0x1  }
0x1da: {  	v3 =	vadd.s32 v1, v3;
	_ =	sdelay $0x2  }
0x1db: {  	[tilespmem:s10], [sflag:$0x1] =	stream.indirect_vreg.gather [hbm4b:s1+s3], $0x80, v4, vm0, $0xb8;
	[tilespmem:$0x10100] =	vst v63  }
0x1dc: {  	_ = 	snop  }
0x1dd: {  	[tilespmem:s11], [sflag:$0x1] =	stream.indirect_vreg.gather [hbm4b:s1+s3], $0x80, v3, vm0, $0xb8;
	[tilespmem:$0x10100] =	vst v63  }
0x1de: {  	v3 =	vld [tilespmem:$0x60];
	_ =	sdelay $0x4  }
0x1df: {  	v38 =	vshll.u32 v3, $0x1  }
0x1e0: {  	v3 =	vand.u32 $0x7, v3;
	v4 =	vand.u32 $0xFFFFFFF0, v38  }
0x1e1: {  	v3 =	vor.u32 v3, v4  }
0x1e2: {  	v4 =	vperm.xlane v3, v0;
	_ =	sdelay $0x1  }
0x1e3: {  	v3 =	vperm.xlane v3, v2;
	v4 =	vadd.s32 v1, v4;
	_ =	sdelay $0x1  }
0x1e4: {  	v3 =	vadd.s32 v1, v3;
	_ =	sdelay $0x2  }
0x1e5: {  	[tilespmem:s8], [sflag:$0x1] =	stream.indirect_vreg.gather [hbm4b:s1+s3], $0x80, v4, vm0, $0xb8;
	[tilespmem:$0x10100] =	vst v63  }
0x1e6: {  	_ = 	snop  }
0x1e7: {  	[tilespmem:s12], [sflag:$0x1] =	stream.indirect_vreg.gather [hbm4b:s1+s3], $0x80, v3, vm0, $0xb8;
	[tilespmem:$0x10100] =	vst v63  }
0x1e8: {  	v3 =	vld [tilespmem:$0x70];
	_ =	sdelay $0x4  }
0x1e9: {  	v39 =	vshll.u32 v3, $0x1  }
0x1ea: {  	v3 =	vand.u32 $0x7, v3;
	v4 =	vand.u32 $0xFFFFFFF0, v39  }
0x1eb: {  	v3 =	vor.u32 v3, v4  }
0x1ec: {  	v4 =	vperm.xlane v3, v0;
	_ =	sdelay $0x1  }
0x1ed: {  	v3 =	vperm.xlane v3, v2;
	v4 =	vadd.s32 v1, v4;
	_ =	sdelay $0x1  }
0x1ee: {  	v3 =	vadd.s32 v1, v3;
	_ =	sdelay $0x2  }
0x1ef: {  	[tilespmem:s13], [sflag:$0x1] =	stream.indirect_vreg.gather [hbm4b:s1+s3], $0x80, v4, vm0, $0xb8;
	[tilespmem:$0x10100] =	vst v63  }
0x1f0: {  	_ = 	snop  }
0x1f1: {  	[tilespmem:s14], [sflag:$0x1] =	stream.indirect_vreg.gather [hbm4b:s1+s3], $0x80, v3, vm0, $0xb8;
	[tilespmem:$0x10100] =	vst v63  }
0x1f2: {  	_ =	swait.ge [sflag:s17], $0x8000  }
0x1f3: {  	[sflag:s17] =	ssyncset.done $0x0  }
0x1f4: {  	s31 =	rddreg [dreg:$0xa];
	[sflag:s17] =	ssyncadd.s32 $0xFFFF8000  }
0x1f5: {  	[hbm4b:s31+s3] =	stream.linear.scatter [tilespmem:s25], [sflag:$0x4], $0x8000, $0x38;
	[tilespmem:$0x10100] =	vst v63  }
0x1f6: {  	_ =	swait.ge [sflag:s18], $0x8000  }
0x1f7: {  	[sflag:s18] =	ssyncset.done $0x0  }
0x1f8: {  	s23 =	rddreg [dreg:$0xb];
	[sflag:s18] =	ssyncadd.s32 $0xFFFF8000  }
0x1f9: {  	[tilespmem:s2], [sflag:$0x5] =	stream.linear.gather [hbm4b:s23+s3], $0x80, $0x38;
	[tilespmem:$0x10100] =	vst v63  }
0x1fa: {  	_ =	swait.ge [sflag:s7], $0x80  }
0x1fb: {  	[sflag:s7] =	ssyncset.done $0x0  }
0x1fc: {  	[sflag:s7] =	ssyncadd.s32 $0xFFFFFF80  }
0x1fd: {  	v3 =	vld [tilespmem:$0x80];
	_ =	sdelay $0x4  }
0x1fe: {  	v40 =	vshll.u32 v3, $0x1  }
0x1ff: {  	v3 =	vand.u32 $0x7, v3;
	v4 =	vand.u32 $0xFFFFFFF0, v40  }
0x200: {  	v3 =	vor.u32 v3, v4  }
0x201: {  	v4 =	vperm.xlane v3, v0;
	_ =	sdelay $0x1  }
0x202: {  	v3 =	vperm.xlane v3, v2;
	v4 =	vadd.s32 v1, v4;
	_ =	sdelay $0x1  }
0x203: {  	v3 =	vadd.s32 v1, v3;
	_ =	sdelay $0x2  }
0x204: {  	[tilespmem:s25], [sflag:$0x2] =	stream.indirect_vreg.gather [hbm4b:s1+s3], $0x80, v4, vm0, $0xb8;
	[tilespmem:$0x10100] =	vst v63  }
0x205: {  	_ = 	snop  }
0x206: {  	[tilespmem:s4], [sflag:$0x2] =	stream.indirect_vreg.gather [hbm4b:s1+s3], $0x80, v3, vm0, $0xb8;
	[tilespmem:$0x10100] =	vst v63  }
0x207: {  	v3 =	vld [tilespmem:$0x90];
	_ =	sdelay $0x4  }
0x208: {  	v41 =	vshll.u32 v3, $0x1  }
0x209: {  	v3 =	vand.u32 $0x7, v3;
	v4 =	vand.u32 $0xFFFFFFF0, v41  }
0x20a: {  	v3 =	vor.u32 v3, v4  }
0x20b: {  	v4 =	vperm.xlane v3, v0;
	_ =	sdelay $0x1  }
0x20c: {  	v3 =	vperm.xlane v3, v2;
	v4 =	vadd.s32 v1, v4;
	_ =	sdelay $0x1  }
0x20d: {  	v3 =	vadd.s32 v1, v3;
	_ =	sdelay $0x2  }
0x20e: {  	[tilespmem:s0], [sflag:$0x2] =	stream.indirect_vreg.gather [hbm4b:s1+s3], $0x80, v4, vm0, $0xb8;
	[tilespmem:$0x10100] =	vst v63  }
0x20f: {  	_ = 	snop  }
0x210: {  	[tilespmem:s5], [sflag:$0x2] =	stream.indirect_vreg.gather [hbm4b:s1+s3], $0x80, v3, vm0, $0xb8;
	[tilespmem:$0x10100] =	vst v63  }
0x211: {  	v3 =	vld [tilespmem:$0xA0];
	_ =	sdelay $0x4  }
0x212: {  	v42 =	vshll.u32 v3, $0x1  }
0x213: {  	v3 =	vand.u32 $0x7, v3;
	v4 =	vand.u32 $0xFFFFFFF0, v42  }
0x214: {  	v3 =	vor.u32 v3, v4  }
0x215: {  	v4 =	vperm.xlane v3, v0;
	_ =	sdelay $0x1  }
0x216: {  	v3 =	vperm.xlane v3, v2;
	v4 =	vadd.s32 v1, v4;
	_ =	sdelay $0x1  }
0x217: {  	v3 =	vadd.s32 v1, v3;
	_ =	sdelay $0x1  }
0x218: {  	s29 =	simm.s32 $0xA100  }
0x219: {  	[tilespmem:s29], [sflag:$0x2] =	stream.indirect_vreg.gather [hbm4b:s1+s3], $0x80, v4, vm0, $0xb8;
	[tilespmem:$0x10100] =	vst v63  }
0x21a: {  	s31 =	simm.s32 $0xA900  }
0x21b: {  	[tilespmem:s31], [sflag:$0x2] =	stream.indirect_vreg.gather [hbm4b:s1+s3], $0x80, v3, vm0, $0xb8;
	[tilespmem:$0x10100] =	vst v63  }
0x21c: {  	v3 =	vld [tilespmem:$0xB0];
	_ =	sdelay $0x4  }
0x21d: {  	v43 =	vshll.u32 v3, $0x1  }
0x21e: {  	v3 =	vand.u32 $0x7, v3;
	v4 =	vand.u32 $0xFFFFFFF0, v43  }
0x21f: {  	v3 =	vor.u32 v3, v4  }
0x220: {  	v4 =	vperm.xlane v3, v0;
	_ =	sdelay $0x1  }
0x221: {  	v3 =	vperm.xlane v3, v2;
	v4 =	vadd.s32 v1, v4;
	_ =	sdelay $0x1  }
0x222: {  	v3 =	vadd.s32 v1, v3;
	_ =	sdelay $0x1  }
0x223: {  	s24 =	simm.s32 $0xB100  }
0x224: {  	[tilespmem:s24], [sflag:$0x2] =	stream.indirect_vreg.gather [hbm4b:s1+s3], $0x80, v4, vm0, $0xb8;
	[tilespmem:$0x10100] =	vst v63  }
0x225: {  	s24 =	simm.s32 $0xB900  }
0x226: {  	[tilespmem:s24], [sflag:$0x2] =	stream.indirect_vreg.gather [hbm4b:s1+s3], $0x80, v3, vm0, $0xb8;
	[tilespmem:$0x10100] =	vst v63  }
0x227: {  	v3 =	vld [tilespmem:$0xC0];
	_ =	sdelay $0x4  }
0x228: {  	v44 =	vshll.u32 v3, $0x1  }
0x229: {  	v3 =	vand.u32 $0x7, v3;
	v4 =	vand.u32 $0xFFFFFFF0, v44  }
0x22a: {  	v3 =	vor.u32 v3, v4  }
0x22b: {  	v4 =	vperm.xlane v3, v0;
	_ =	sdelay $0x1  }
0x22c: {  	v3 =	vperm.xlane v3, v2;
	v4 =	vadd.s32 v1, v4;
	_ =	sdelay $0x1  }
0x22d: {  	v3 =	vadd.s32 v1, v3;
	_ =	sdelay $0x1  }
0x22e: {  	s30 =	simm.s32 $0xC100  }
0x22f: {  	[tilespmem:s30], [sflag:$0x2] =	stream.indirect_vreg.gather [hbm4b:s1+s3], $0x80, v4, vm0, $0xb8;
	[tilespmem:$0x10100] =	vst v63  }
0x230: {  	s31 =	simm.s32 $0xC900  }
0x231: {  	[tilespmem:s31], [sflag:$0x2] =	stream.indirect_vreg.gather [hbm4b:s1+s3], $0x80, v3, vm0, $0xb8;
	[tilespmem:$0x10100] =	vst v63  }
0x232: {  	v3 =	vld [tilespmem:$0xD0];
	_ =	sdelay $0x4  }
0x233: {  	v45 =	vshll.u32 v3, $0x1  }
0x234: {  	v3 =	vand.u32 $0x7, v3;
	v4 =	vand.u32 $0xFFFFFFF0, v45  }
0x235: {  	v3 =	vor.u32 v3, v4  }
0x236: {  	v4 =	vperm.xlane v3, v0;
	_ =	sdelay $0x1  }
0x237: {  	v3 =	vperm.xlane v3, v2;
	v4 =	vadd.s32 v1, v4;
	_ =	sdelay $0x1  }
0x238: {  	v3 =	vadd.s32 v1, v3;
	_ =	sdelay $0x1  }
0x239: {  	s30 =	simm.s32 $0xD100  }
0x23a: {  	[tilespmem:s30], [sflag:$0x2] =	stream.indirect_vreg.gather [hbm4b:s1+s3], $0x80, v4, vm0, $0xb8;
	[tilespmem:$0x10100] =	vst v63  }
0x23b: {  	s31 =	simm.s32 $0xD900  }
0x23c: {  	[tilespmem:s31], [sflag:$0x2] =	stream.indirect_vreg.gather [hbm4b:s1+s3], $0x80, v3, vm0, $0xb8;
	[tilespmem:$0x10100] =	vst v63  }
0x23d: {  	v3 =	vld [tilespmem:$0xE0];
	_ =	sdelay $0x4  }
0x23e: {  	v46 =	vshll.u32 v3, $0x1  }
0x23f: {  	v3 =	vand.u32 $0x7, v3;
	v4 =	vand.u32 $0xFFFFFFF0, v46  }
0x240: {  	v3 =	vor.u32 v3, v4  }
0x241: {  	v4 =	vperm.xlane v3, v0;
	_ =	sdelay $0x1  }
0x242: {  	v3 =	vperm.xlane v3, v2;
	v4 =	vadd.s32 v1, v4;
	_ =	sdelay $0x1  }
0x243: {  	v3 =	vadd.s32 v1, v3;
	_ =	sdelay $0x1  }
0x244: {  	s20 =	simm.s32 $0xE100  }
0x245: {  	[tilespmem:s20], [sflag:$0x2] =	stream.indirect_vreg.gather [hbm4b:s1+s3], $0x80, v4, vm0, $0xb8;
	[tilespmem:$0x10100] =	vst v63  }
0x246: {  	s20 =	simm.s32 $0xE900  }
0x247: {  	[tilespmem:s20], [sflag:$0x2] =	stream.indirect_vreg.gather [hbm4b:s1+s3], $0x80, v3, vm0, $0xb8;
	[tilespmem:$0x10100] =	vst v63  }
0x248: {  	v3 =	vld [tilespmem:$0xF0];
	_ =	sdelay $0x4  }
0x249: {  	v47 =	vshll.u32 v3, $0x1  }
0x24a: {  	v3 =	vand.u32 $0x7, v3;
	v4 =	vand.u32 $0xFFFFFFF0, v47  }
0x24b: {  	v3 =	vor.u32 v3, v4  }
0x24c: {  	v4 =	vperm.xlane v3, v0;
	_ =	sdelay $0x1  }
0x24d: {  	v3 =	vperm.xlane v3, v2;
	v4 =	vadd.s32 v1, v4;
	_ =	sdelay $0x1  }
0x24e: {  	v3 =	vadd.s32 v1, v3;
	_ =	sdelay $0x1  }
0x24f: {  	s21 =	simm.s32 $0xF100  }
0x250: {  	[tilespmem:s21], [sflag:$0x2] =	stream.indirect_vreg.gather [hbm4b:s1+s3], $0x80, v4, vm0, $0xb8;
	[tilespmem:$0x10100] =	vst v63  }
0x251: {  	s21 =	simm.s32 $0xF900  }
0x252: {  	[tilespmem:s21], [sflag:$0x2] =	stream.indirect_vreg.gather [hbm4b:s1+s3], $0x80, v3, vm0, $0xb8;
	[tilespmem:$0x10100] =	vst v63  }
0x253: {  	_ =	swait.ge [sflag:s15], $0x8000  }
0x254: {  	[sflag:s15] =	ssyncset.done $0x0  }
0x255: {  	s19 =	rddreg [dreg:$0xc];
	[sflag:s15] =	ssyncadd.s32 $0xFFFF8000  }
0x256: {  	[hbm4b:s19+s3] =	stream.linear.scatter [tilespmem:s22], [sflag:$0x3], $0x8000, $0x38;
	[tilespmem:$0x10100] =	vst v63  }
0x257: {  	_ =	swait.ge [sflag:s16], $0x8000  }
0x258: {  	[sflag:s16] =	ssyncset.done $0x0  }
0x259: {  	s19 =	rddreg [dreg:$0xd];
	[sflag:s16] =	ssyncadd.s32 $0xFFFF8000  }
0x25a: {  	[tilespmem:s3], [sflag:$0x5] =	stream.linear.gather [hbm4b:s19+s3], $0x80, $0x38;
	[tilespmem:$0x10100] =	vst v63  }
0x25b: {  	_ =	swait.ge [sflag:s7], $0x80  }
0x25c: {  	[sflag:s7] =	ssyncset.done $0x0  }
0x25d: {  	[sflag:s7] =	ssyncadd.s32 $0xFFFFFF80  }
0x25e: {  	v3 =	vld [tilespmem:$0x0];
	_ =	sdelay $0x4  }
0x25f: {  	v48 =	vshll.u32 v3, $0x1  }
0x260: {  	v3 =	vand.u32 $0x7, v3;
	v4 =	vand.u32 $0xFFFFFFF0, v48  }
0x261: {  	v3 =	vor.u32 v3, v4  }
0x262: {  	v4 =	vperm.xlane v3, v0;
	_ =	sdelay $0x1  }
0x263: {  	v3 =	vperm.xlane v3, v2;
	v4 =	vadd.s32 v1, v4;
	_ =	sdelay $0x1  }
0x264: {  	v3 =	vadd.s32 v1, v3;
	_ =	sdelay $0x2  }
0x265: {  	[tilespmem:s22], [sflag:$0x1] =	stream.indirect_vreg.gather [hbm4b:s1+s3], $0x80, v4, vm0, $0xb8;
	[tilespmem:$0x10100] =	vst v63  }
0x266: {  	s9 =	simm.s32 $0x900  }
0x267: {  	[tilespmem:s9], [sflag:$0x1] =	stream.indirect_vreg.gather [hbm4b:s1+s3], $0x80, v3, vm0, $0xb8;
	[tilespmem:$0x10100] =	vst v63  }
0x268: {  	v3 =	vld [tilespmem:$0x10];
	_ =	sdelay $0x4  }
0x269: {  	v49 =	vshll.u32 v3, $0x1  }
0x26a: {  	v3 =	vand.u32 $0x7, v3;
	v4 =	vand.u32 $0xFFFFFFF0, v49  }
0x26b: {  	v3 =	vor.u32 v3, v4  }
0x26c: {  	v4 =	vperm.xlane v3, v0;
	_ =	sdelay $0x1  }
0x26d: {  	v3 =	vperm.xlane v3, v2;
	v4 =	vadd.s32 v1, v4;
	_ =	sdelay $0x1  }
0x26e: {  	v3 =	vadd.s32 v1, v3;
	_ =	sdelay $0x1  }
0x26f: {  	s19 =	simm.s32 $0x1100  }
0x270: {  	[tilespmem:s19], [sflag:$0x1] =	stream.indirect_vreg.gather [hbm4b:s1+s3], $0x80, v4, vm0, $0xb8;
	[tilespmem:$0x10100] =	vst v63  }
0x271: {  	s28 =	simm.s32 $0x1900  }
0x272: {  	[tilespmem:s28], [sflag:$0x1] =	stream.indirect_vreg.gather [hbm4b:s1+s3], $0x80, v3, vm0, $0xb8;
	[tilespmem:$0x10100] =	vst v63  }
0x273: {  	v3 =	vld [tilespmem:$0x20];
	_ =	sdelay $0x4  }
0x274: {  	v50 =	vshll.u32 v3, $0x1  }
0x275: {  	v3 =	vand.u32 $0x7, v3;
	v4 =	vand.u32 $0xFFFFFFF0, v50  }
0x276: {  	v3 =	vor.u32 v3, v4  }
0x277: {  	v4 =	vperm.xlane v3, v0;
	_ =	sdelay $0x1  }
0x278: {  	v3 =	vperm.xlane v3, v2;
	v4 =	vadd.s32 v1, v4;
	_ =	sdelay $0x1  }
0x279: {  	v3 =	vadd.s32 v1, v3;
	_ =	sdelay $0x1  }
0x27a: {  	s19 =	simm.s32 $0x2100  }
0x27b: {  	[tilespmem:s19], [sflag:$0x1] =	stream.indirect_vreg.gather [hbm4b:s1+s3], $0x80, v4, vm0, $0xb8;
	[tilespmem:$0x10100] =	vst v63  }
0x27c: {  	s28 =	simm.s32 $0x2900  }
0x27d: {  	[tilespmem:s28], [sflag:$0x1] =	stream.indirect_vreg.gather [hbm4b:s1+s3], $0x80, v3, vm0, $0xb8;
	[tilespmem:$0x10100] =	vst v63  }
0x27e: {  	v3 =	vld [tilespmem:$0x30];
	_ =	sdelay $0x4  }
0x27f: {  	v51 =	vshll.u32 v3, $0x1  }
0x280: {  	v3 =	vand.u32 $0x7, v3;
	v4 =	vand.u32 $0xFFFFFFF0, v51  }
0x281: {  	v3 =	vor.u32 v3, v4  }
0x282: {  	v4 =	vperm.xlane v3, v0;
	_ =	sdelay $0x1  }
0x283: {  	v3 =	vperm.xlane v3, v2;
	v4 =	vadd.s32 v1, v4;
	_ =	sdelay $0x1  }
0x284: {  	v3 =	vadd.s32 v1, v3;
	_ =	sdelay $0x1  }
0x285: {  	s19 =	simm.s32 $0x3100  }
0x286: {  	[tilespmem:s19], [sflag:$0x1] =	stream.indirect_vreg.gather [hbm4b:s1+s3], $0x80, v4, vm0, $0xb8;
	[tilespmem:$0x10100] =	vst v63  }
0x287: {  	s26 =	simm.s32 $0x3900  }
0x288: {  	[tilespmem:s26], [sflag:$0x1] =	stream.indirect_vreg.gather [hbm4b:s1+s3], $0x80, v3, vm0, $0xb8;
	[tilespmem:$0x10100] =	vst v63  }
0x289: {  	v3 =	vld [tilespmem:$0x40];
	_ =	sdelay $0x4  }
0x28a: {  	v52 =	vshll.u32 v3, $0x1  }
0x28b: {  	v3 =	vand.u32 $0x7, v3;
	v4 =	vand.u32 $0xFFFFFFF0, v52  }
0x28c: {  	v3 =	vor.u32 v3, v4  }
0x28d: {  	v4 =	vperm.xlane v3, v0;
	_ =	sdelay $0x1  }
0x28e: {  	v3 =	vperm.xlane v3, v2;
	v4 =	vadd.s32 v1, v4;
	_ =	sdelay $0x1  }
0x28f: {  	v3 =	vadd.s32 v1, v3;
	_ =	sdelay $0x1  }
0x290: {  	s26 =	simm.s32 $0x4100  }
0x291: {  	[tilespmem:s26], [sflag:$0x1] =	stream.indirect_vreg.gather [hbm4b:s1+s3], $0x80, v4, vm0, $0xb8;
	[tilespmem:$0x10100] =	vst v63  }
0x292: {  	s28 =	simm.s32 $0x4900  }
0x293: {  	[tilespmem:s28], [sflag:$0x1] =	stream.indirect_vreg.gather [hbm4b:s1+s3], $0x80, v3, vm0, $0xb8;
	[tilespmem:$0x10100] =	vst v63  }
0x294: {  	v3 =	vld [tilespmem:$0x50];
	_ =	sdelay $0x4  }
0x295: {  	v53 =	vshll.u32 v3, $0x1  }
0x296: {  	v3 =	vand.u32 $0x7, v3;
	v4 =	vand.u32 $0xFFFFFFF0, v53  }
0x297: {  	v3 =	vor.u32 v3, v4  }
0x298: {  	v4 =	vperm.xlane v3, v0;
	_ =	sdelay $0x1  }
0x299: {  	v3 =	vperm.xlane v3, v2;
	v4 =	vadd.s32 v1, v4;
	_ =	sdelay $0x1  }
0x29a: {  	v3 =	vadd.s32 v1, v3;
	_ =	sdelay $0x1  }
0x29b: {  	s10 =	simm.s32 $0x5100  }
0x29c: {  	[tilespmem:s10], [sflag:$0x1] =	stream.indirect_vreg.gather [hbm4b:s1+s3], $0x80, v4, vm0, $0xb8;
	[tilespmem:$0x10100] =	vst v63  }
0x29d: {  	s11 =	simm.s32 $0x5900  }
0x29e: {  	[tilespmem:s11], [sflag:$0x1] =	stream.indirect_vreg.gather [hbm4b:s1+s3], $0x80, v3, vm0, $0xb8;
	[tilespmem:$0x10100] =	vst v63  }
0x29f: {  	v3 =	vld [tilespmem:$0x60];
	_ =	sdelay $0x4  }
0x2a0: {  	v54 =	vshll.u32 v3, $0x1  }
0x2a1: {  	v3 =	vand.u32 $0x7, v3;
	v4 =	vand.u32 $0xFFFFFFF0, v54  }
0x2a2: {  	v3 =	vor.u32 v3, v4  }
0x2a3: {  	v4 =	vperm.xlane v3, v0;
	_ =	sdelay $0x1  }
0x2a4: {  	v3 =	vperm.xlane v3, v2;
	v4 =	vadd.s32 v1, v4;
	_ =	sdelay $0x1  }
0x2a5: {  	v3 =	vadd.s32 v1, v3;
	_ =	sdelay $0x1  }
0x2a6: {  	s8 =	simm.s32 $0x6100  }
0x2a7: {  	[tilespmem:s8], [sflag:$0x1] =	stream.indirect_vreg.gather [hbm4b:s1+s3], $0x80, v4, vm0, $0xb8;
	[tilespmem:$0x10100] =	vst v63  }
0x2a8: {  	s12 =	simm.s32 $0x6900  }
0x2a9: {  	[tilespmem:s12], [sflag:$0x1] =	stream.indirect_vreg.gather [hbm4b:s1+s3], $0x80, v3, vm0, $0xb8;
	[tilespmem:$0x10100] =	vst v63  }
0x2aa: {  	v3 =	vld [tilespmem:$0x70];
	_ =	sdelay $0x4  }
0x2ab: {  	v55 =	vshll.u32 v3, $0x1  }
0x2ac: {  	v3 =	vand.u32 $0x7, v3;
	v4 =	vand.u32 $0xFFFFFFF0, v55  }
0x2ad: {  	v3 =	vor.u32 v3, v4  }
0x2ae: {  	v4 =	vperm.xlane v3, v0;
	_ =	sdelay $0x1  }
0x2af: {  	v3 =	vperm.xlane v3, v2;
	v4 =	vadd.s32 v1, v4;
	_ =	sdelay $0x1  }
0x2b0: {  	v3 =	vadd.s32 v1, v3;
	_ =	sdelay $0x1  }
0x2b1: {  	s13 =	simm.s32 $0x7100  }
0x2b2: {  	[tilespmem:s13], [sflag:$0x1] =	stream.indirect_vreg.gather [hbm4b:s1+s3], $0x80, v4, vm0, $0xb8;
	[tilespmem:$0x10100] =	vst v63  }
0x2b3: {  	s14 =	simm.s32 $0x7900  }
0x2b4: {  	[tilespmem:s14], [sflag:$0x1] =	stream.indirect_vreg.gather [hbm4b:s1+s3], $0x80, v3, vm0, $0xb8;
	[tilespmem:$0x10100] =	vst v63  }
0x2b5: {  	_ =	swait.ge [sflag:s17], $0x8000  }
0x2b6: {  	[sflag:s17] =	ssyncset.done $0x0  }
0x2b7: {  	s13 =	rddreg [dreg:$0xe];
	[sflag:s17] =	ssyncadd.s32 $0xFFFF8000  }
0x2b8: {  	[hbm4b:s13+s3] =	stream.linear.scatter [tilespmem:s25], [sflag:$0x4], $0x8000, $0x38;
	[tilespmem:$0x10100] =	vst v63  }
0x2b9: {  	_ =	swait.ge [sflag:s18], $0x8000  }
0x2ba: {  	[sflag:s18] =	ssyncset.done $0x0  }
0x2bb: {  	s2 =	simm.s32 $0x80;
	s14 =	rddreg [dreg:$0xf];
	[sflag:s18] =	ssyncadd.s32 $0xFFFF8000  }
0x2bc: {  	[tilespmem:s2], [sflag:$0x5] =	stream.linear.gather [hbm4b:s14+s3], $0x80, $0x38;
	[tilespmem:$0x10100] =	vst v63  }
0x2bd: {  	_ =	swait.ge [sflag:s7], $0x80  }
0x2be: {  	[sflag:s7] =	ssyncset.done $0x0  }
0x2bf: {  	[sflag:s7] =	ssyncadd.s32 $0xFFFFFF80  }
0x2c0: {  	v3 =	vld [tilespmem:$0x80];
	_ =	sdelay $0x4  }
0x2c1: {  	v56 =	vshll.u32 v3, $0x1  }
0x2c2: {  	v3 =	vand.u32 $0x7, v3;
	v4 =	vand.u32 $0xFFFFFFF0, v56  }
0x2c3: {  	v3 =	vor.u32 v3, v4  }
0x2c4: {  	v4 =	vperm.xlane v3, v0;
	_ =	sdelay $0x1  }
0x2c5: {  	v3 =	vperm.xlane v3, v2;
	v4 =	vadd.s32 v1, v4;
	_ =	sdelay $0x1  }
0x2c6: {  	v3 =	vadd.s32 v1, v3;
	_ =	sdelay $0x2  }
0x2c7: {  	[tilespmem:s25], [sflag:$0x2] =	stream.indirect_vreg.gather [hbm4b:s1+s3], $0x80, v4, vm0, $0xb8;
	[tilespmem:$0x10100] =	vst v63  }
0x2c8: {  	s4 =	simm.s32 $0x8900  }
0x2c9: {  	[tilespmem:s4], [sflag:$0x2] =	stream.indirect_vreg.gather [hbm4b:s1+s3], $0x80, v3, vm0, $0xb8;
	[tilespmem:$0x10100] =	vst v63  }
0x2ca: {  	v3 =	vld [tilespmem:$0x90];
	_ =	sdelay $0x4  }
0x2cb: {  	v57 =	vshll.u32 v3, $0x1  }
0x2cc: {  	v3 =	vand.u32 $0x7, v3;
	v4 =	vand.u32 $0xFFFFFFF0, v57  }
0x2cd: {  	v3 =	vor.u32 v3, v4  }
0x2ce: {  	v4 =	vperm.xlane v3, v0;
	_ =	sdelay $0x1  }
0x2cf: {  	v3 =	vperm.xlane v3, v2;
	v4 =	vadd.s32 v1, v4;
	_ =	sdelay $0x1  }
0x2d0: {  	v3 =	vadd.s32 v1, v3;
	_ =	sdelay $0x1  }
0x2d1: {  	s0 =	simm.s32 $0x9100  }
0x2d2: {  	[tilespmem:s0], [sflag:$0x2] =	stream.indirect_vreg.gather [hbm4b:s1+s3], $0x80, v4, vm0, $0xb8;
	[tilespmem:$0x10100] =	vst v63  }
0x2d3: {  	s5 =	simm.s32 $0x9900  }
0x2d4: {  	[tilespmem:s5], [sflag:$0x2] =	stream.indirect_vreg.gather [hbm4b:s1+s3], $0x80, v3, vm0, $0xb8;
	[tilespmem:$0x10100] =	vst v63  }
0x2d5: {  	v3 =	vld [tilespmem:$0xA0];
	_ =	sdelay $0x4  }
0x2d6: {  	v58 =	vshll.u32 v3, $0x1  }
0x2d7: {  	v3 =	vand.u32 $0x7, v3;
	v4 =	vand.u32 $0xFFFFFFF0, v58  }
0x2d8: {  	v3 =	vor.u32 v3, v4  }
0x2d9: {  	v4 =	vperm.xlane v3, v0;
	_ =	sdelay $0x1  }
0x2da: {  	v3 =	vperm.xlane v3, v2;
	v4 =	vadd.s32 v1, v4;
	_ =	sdelay $0x1  }
0x2db: {  	v3 =	vadd.s32 v1, v3;
	_ =	sdelay $0x1  }
0x2dc: {  	s23 =	simm.s32 $0xA100  }
0x2dd: {  	[tilespmem:s23], [sflag:$0x2] =	stream.indirect_vreg.gather [hbm4b:s1+s3], $0x80, v4, vm0, $0xb8;
	[tilespmem:$0x10100] =	vst v63  }
0x2de: {  	s19 =	simm.s32 $0xA900  }
0x2df: {  	[tilespmem:s19], [sflag:$0x2] =	stream.indirect_vreg.gather [hbm4b:s1+s3], $0x80, v3, vm0, $0xb8;
	[tilespmem:$0x10100] =	vst v63  }
0x2e0: {  	v3 =	vld [tilespmem:$0xB0];
	_ =	sdelay $0x4  }
0x2e1: {  	v59 =	vshll.u32 v3, $0x1  }
0x2e2: {  	v3 =	vand.u32 $0x7, v3;
	v4 =	vand.u32 $0xFFFFFFF0, v59  }
0x2e3: {  	v3 =	vor.u32 v3, v4  }
0x2e4: {  	v4 =	vperm.xlane v3, v0;
	_ =	sdelay $0x1  }
0x2e5: {  	v3 =	vperm.xlane v3, v2;
	v4 =	vadd.s32 v1, v4;
	_ =	sdelay $0x1  }
0x2e6: {  	v3 =	vadd.s32 v1, v3;
	_ =	sdelay $0x1  }
0x2e7: {  	s29 =	simm.s32 $0xB100  }
0x2e8: {  	[tilespmem:s29], [sflag:$0x2] =	stream.indirect_vreg.gather [hbm4b:s1+s3], $0x80, v4, vm0, $0xb8;
	[tilespmem:$0x10100] =	vst v63  }
0x2e9: {  	s23 =	simm.s32 $0xB900  }
0x2ea: {  	[tilespmem:s23], [sflag:$0x2] =	stream.indirect_vreg.gather [hbm4b:s1+s3], $0x80, v3, vm0, $0xb8;
	[tilespmem:$0x10100] =	vst v63  }
0x2eb: {  	v3 =	vld [tilespmem:$0xC0];
	_ =	sdelay $0x4  }
0x2ec: {  	v60 =	vshll.u32 v3, $0x1  }
0x2ed: {  	v3 =	vand.u32 $0x7, v3;
	v4 =	vand.u32 $0xFFFFFFF0, v60  }
0x2ee: {  	v3 =	vor.u32 v3, v4  }
0x2ef: {  	v4 =	vperm.xlane v3, v0;
	_ =	sdelay $0x1  }
0x2f0: {  	v3 =	vperm.xlane v3, v2;
	v4 =	vadd.s32 v1, v4;
	_ =	sdelay $0x1  }
0x2f1: {  	v3 =	vadd.s32 v1, v3;
	_ =	sdelay $0x1  }
0x2f2: {  	s24 =	simm.s32 $0xC100  }
0x2f3: {  	[tilespmem:s24], [sflag:$0x2] =	stream.indirect_vreg.gather [hbm4b:s1+s3], $0x80, v4, vm0, $0xb8;
	[tilespmem:$0x10100] =	vst v63  }
0x2f4: {  	s26 =	simm.s32 $0xC900  }
0x2f5: {  	[tilespmem:s26], [sflag:$0x2] =	stream.indirect_vreg.gather [hbm4b:s1+s3], $0x80, v3, vm0, $0xb8;
	[tilespmem:$0x10100] =	vst v63  }
0x2f6: {  	v3 =	vld [tilespmem:$0xD0];
	_ =	sdelay $0x4  }
0x2f7: {  	v61 =	vshll.u32 v3, $0x1  }
0x2f8: {  	v3 =	vand.u32 $0x7, v3;
	v4 =	vand.u32 $0xFFFFFFF0, v61  }
0x2f9: {  	v3 =	vor.u32 v3, v4  }
0x2fa: {  	v4 =	vperm.xlane v3, v0;
	_ =	sdelay $0x1  }
0x2fb: {  	v3 =	vperm.xlane v3, v2;
	v4 =	vadd.s32 v1, v4;
	_ =	sdelay $0x1  }
0x2fc: {  	v3 =	vadd.s32 v1, v3;
	_ =	sdelay $0x1  }
0x2fd: {  	s30 =	simm.s32 $0xD100  }
0x2fe: {  	[tilespmem:s30], [sflag:$0x2] =	stream.indirect_vreg.gather [hbm4b:s1+s3], $0x80, v4, vm0, $0xb8;
	[tilespmem:$0x10100] =	vst v63  }
0x2ff: {  	s28 =	simm.s32 $0xD900  }
0x300: {  	[tilespmem:s28], [sflag:$0x2] =	stream.indirect_vreg.gather [hbm4b:s1+s3], $0x80, v3, vm0, $0xb8;
	[tilespmem:$0x10100] =	vst v63  }
0x301: {  	v3 =	vld [tilespmem:$0xE0];
	_ =	sdelay $0x4  }
0x302: {  	v62 =	vshll.u32 v3, $0x1  }
0x303: {  	v3 =	vand.u32 $0x7, v3;
	v4 =	vand.u32 $0xFFFFFFF0, v62  }
0x304: {  	v3 =	vor.u32 v3, v4  }
0x305: {  	v4 =	vperm.xlane v3, v0;
	_ =	sdelay $0x1  }
0x306: {  	v3 =	vperm.xlane v3, v2;
	v4 =	vadd.s32 v1, v4;
	_ =	sdelay $0x1  }
0x307: {  	v3 =	vadd.s32 v1, v3;
	_ =	sdelay $0x1  }
0x308: {  	s31 =	simm.s32 $0xE100  }
0x309: {  	[tilespmem:s31], [sflag:$0x2] =	stream.indirect_vreg.gather [hbm4b:s1+s3], $0x80, v4, vm0, $0xb8;
	[tilespmem:$0x10100] =	vst v63  }
0x30a: {  	s29 =	simm.s32 $0xE900  }
0x30b: {  	[tilespmem:s29], [sflag:$0x2] =	stream.indirect_vreg.gather [hbm4b:s1+s3], $0x80, v3, vm0, $0xb8;
	[tilespmem:$0x10100] =	vst v63  }
0x30c: {  	v3 =	vld [tilespmem:$0xF0];
	_ =	sdelay $0x4  }
0x30d: {  	v63 =	vshll.u32 v3, $0x1  }
0x30e: {  	v3 =	vand.u32 $0x7, v3;
	v4 =	vand.u32 $0xFFFFFFF0, v63  }
0x30f: {  	v3 =	vor.u32 v3, v4  }
0x310: {  	v4 =	vperm.xlane v3, v0;
	_ =	sdelay $0x1  }
0x311: {  	v3 =	vperm.xlane v3, v2;
	v4 =	vadd.s32 v1, v4;
	_ =	sdelay $0x1  }
0x312: {  	v3 =	vadd.s32 v1, v3;
	_ =	sdelay $0x1  }
0x313: {  	s20 =	simm.s32 $0xF100  }
0x314: {  	[tilespmem:s20], [sflag:$0x2] =	stream.indirect_vreg.gather [hbm4b:s1+s3], $0x80, v4, vm0, $0xb8;
	[tilespmem:$0x10100] =	vst v63  }
0x315: {  	s21 =	simm.s32 $0xF900  }
0x316: {  	[tilespmem:s21], [sflag:$0x2] =	stream.indirect_vreg.gather [hbm4b:s1+s3], $0x80, v3, vm0, $0xb8;
	[tilespmem:$0x10100] =	vst v63  }
0x317: {  	_ =	swait.ge [sflag:s15], $0x8000  }
0x318: {  	[sflag:s15] =	ssyncset.done $0x0  }
0x319: {  	s30 =	rddreg [dreg:$0x10];
	[sflag:s15] =	ssyncadd.s32 $0xFFFF8000  }
0x31a: {  	[hbm4b:s30+s3] =	stream.linear.scatter [tilespmem:s22], [sflag:$0x3], $0x8000, $0x38;
	[tilespmem:$0x10100] =	vst v63  }
0x31b: {  	_ =	swait.ge [sflag:s17], $0x8000  }
0x31c: {  	[sflag:s17] =	ssyncset.done $0x0  }
0x31d: {  	s31 =	rddreg [dreg:$0x11];
	[sflag:s17] =	ssyncadd.s32 $0xFFFF8000  }
0x31e: {  	[hbm4b:s31+s3] =	stream.linear.scatter [tilespmem:s25], [sflag:$0x4], $0x8000, $0x38;
	[tilespmem:$0x10100] =	vst v63  }
0x31f: {  	p0 =	sne.s32 s6, $0x1;
	_ =	swait.ge [sflag:s16], $0x8000  }
.Ltmp0:
0x320: {  	[sflag:s16] =	ssyncset.done $0x0;
	(pc) =	sbr.rel @p0 .LBB2_1-.Ltmp0, $4  }
0x321: {  	[sflag:s16] =	ssyncadd.s32 $0xFFFF8000  }
0x322: {  	_ =	swait.ge [sflag:s18], $0x8000  }
0x323: {  	[sflag:s18] =	ssyncset.done $0x0  }
0x324: {  	s6 =	sadd.s32 $0xFFFFFFFF, s6;
	[sflag:s18] =	ssyncadd.s32 $0xFFFF8000  }
0x325: {  	_ =	sfence.sel $0x180000  }
0x326: {  	[bflag:$0x0] =	sbarrier.arrive $0xFFFF  }
0x327: {  	_ =	strace $0x90000047  }
0x328: {  	s0 =	stileid.u32;
	[bflag:$0x2] =	sbarrier.arrive $0xFFFF  }
0x329: {  	p0 =	sne.s32 s0, $0x0;
	s0 =	rddreg [dreg:$0x3]  }
0x32a: {  	s0 =	sadd.s32 @!p0 $0x100000, s0  }
0x32b: {  	[sflag:s0] =	ssyncadd.tile.s32 @!p0 $0x1;
	_ =	shalt  }
.Lfunc_end2:
_tile_overlayer_lowered:
.L_overlay_start_2:
0x32c: {  	(tag) =	ssettag $0x2  }
0x32d: {  	s0 =	rddreg [dreg:$0x0];
	s2 =	stileid.u32  }
0x32e: {  	s1 =	rddreg [dreg:$0x1];
	p0 =	sne.s32 s2, $0x0  }
0x32f: {  	s3 =	rddreg [dreg:$0x2];
	[bflag:$0x3] =	sbarrier.arrive $0xFFFF;
	s2 =	simm.s32 @!p0 $0x1C05  }
0x330: {  	[timem:s3], [sflag:s2] =	dma.local @!p0 [hbm:s0], s1  }
0x331: {  	s0 =	simm.s32 @!p0 $0x5  }
0x332: {  	_ =	swait.ge @!p0 [sflag:s0], s1  }
0x333: {  	s1 =	ssub.s32 @!p0 $0x0, s1;
	[sflag:s0] =	ssyncset.done @!p0 $0x0  }
0x334: {  	[sflag:s0] =	ssyncadd.s32 @!p0 s1  }
0x335: {  	[bflag:$0x3] =	sbarrier.arrive $0xFFFF  }
0x336: {  	_ =	shalt  }

</sc_bundles>
